<compile_context>
chip_gen: v7x
topology: tpu7x:2x2x1
jax: 0.10.2.dev20260603
libtpu: 0.0.44.dev20260713+nightly
codegen_flags: <defaults>
</compile_context>

<pallas_src>
import functools

import jax
import jax.numpy as jnp
from jax import lax
from jax.experimental import pallas as pl
from jax.experimental.pallas import tpu as pltpu
from jax.experimental.pallas import tpu_sc as plsc

_NUM_MEMORY = 100000
_NUM_DIMS = 64
_BATCH = 1024
_HIST = 50
_HIST_PAD = 64

_NC = 2
_NS = 16
_L = 16
_NW = _NC * _NS
_D_PER_W = _NUM_DIMS // _NW
_IDR = 128
_IDROWS = _BATCH * _HIST_PAD // _IDR
_IDR_PER_W = _IDROWS // _NW
_SLICE = 6272
_MASK_PAD = _NS * _SLICE


@functools.partial(
    pl.kernel,
    mesh=plsc.VectorSubcoreMesh(core_axis_name="c", subcore_axis_name="s"),
    compiler_params=pltpu.CompilerParams(needs_layout_passes=False),
    out_type=[
        jax.ShapeDtypeStruct((_NUM_DIMS, _BATCH), jnp.float32),
        jax.ShapeDtypeStruct((_MASK_PAD,), jnp.int32),
        jax.ShapeDtypeStruct((_MASK_PAD,), jnp.int32),
    ],
    scratch_types=[
        pltpu.VMEM((_BATCH,), jnp.int32),
        pltpu.VMEM((_NUM_MEMORY,), jnp.float32),
        pltpu.VMEM((_BATCH,), jnp.float32),
        pltpu.VMEM((_IDR_PER_W, _IDR), jnp.int32),
        pltpu.VMEM((_IDR,), jnp.int32),
        pltpu.VMEM((_SLICE,), jnp.int32),
        pltpu.VMEM_SHARED((_MASK_PAD,), jnp.int32),
        pltpu.SemaphoreType.DMA,
        pltpu.SemaphoreType.DMA,
        pltpu.SemaphoreType.DMA,
        pltpu.SemaphoreType.DMA,
    ],
)
def _sc_kernel(src_hbm, tgt_hbm, memt_hbm, vecst_hbm, m0_hbm, m1_hbm,
               sidx_v, slab_v, orow_v, stage_v, ones_v, zbuf_v, shared,
               gsem, ssem, osem, isem):
    cid = lax.axis_index("c")
    sid = lax.axis_index("s")
    wid = sid * _NC + cid
    d0 = wid * _D_PER_W

    sidx_copy = pltpu.async_copy(src_hbm, sidx_v, isem)
    slab_copy = pltpu.async_copy(memt_hbm.at[d0], slab_v, gsem)

    ones = jnp.ones((_L,), jnp.int32)
    zeros = jnp.zeros((_L,), jnp.int32)
    for j in range(_IDR // _L):
        ones_v[pl.ds(j * _L, _L)] = ones

    def _zero_body(i, carry):
        zbuf_v[pl.ds(i * _L, _L)] = zeros
        return carry

    lax.fori_loop(0, _SLICE // _L, _zero_body, 0)

    pltpu.sync_copy(tgt_hbm.at[pl.ds(wid * _IDR_PER_W, _IDR_PER_W), :], stage_v)

    lo = sid * _SLICE
    pltpu.sync_copy(zbuf_v, shared.at[pl.ds(lo, _SLICE)])
    plsc.subcore_barrier()

    mask_copies = []
    for r in range(_IDR_PER_W):
        mask_copies.append(
            pltpu.async_copy(ones_v, shared.at[stage_v.at[r]], ssem)
        )
    for c in mask_copies:
        c.wait()
    plsc.subcore_barrier()

    @pl.when(cid == 0)
    def _():
        pltpu.sync_copy(shared.at[pl.ds(lo, _SLICE)], m0_hbm.at[pl.ds(lo, _SLICE)])

    @pl.when(cid == 1)
    def _():
        pltpu.sync_copy(shared.at[pl.ds(lo, _SLICE)], m1_hbm.at[pl.ds(lo, _SLICE)])

    sidx_copy.wait()
    out_copies = []
    for k in range(_D_PER_W):
        slab_copy.wait()

        def _gather_body(i, carry):
            idx = sidx_v[pl.ds(i * _L, _L)]
            orow_v[pl.ds(i * _L, _L)] = plsc.load_gather(slab_v, [idx])
            return carry

        lax.fori_loop(0, _BATCH // _L, _gather_body, 0)
        out_copies.append(
            pltpu.async_copy(orow_v, vecst_hbm.at[d0 + k], osem)
        )
        if k + 1 < _D_PER_W:
            out_copies.pop(0).wait()
            slab_copy = pltpu.async_copy(memt_hbm.at[d0 + k + 1], slab_v, gsem)
    for c in out_copies:
        c.wait()


def kernel(src_ids, tgt_ids, memory):
    pad = (
        jnp.arange(_HIST_PAD - _HIST, dtype=jnp.int32)[None, :]
        + 16 * jnp.arange(_BATCH, dtype=jnp.int32)[:, None]
    ) % (_MASK_PAD - _NUM_MEMORY) + _NUM_MEMORY
    tgt_padded = jnp.concatenate([tgt_ids, pad], axis=1).reshape(_IDROWS, _IDR)
    vecs_t, m0, m1 = _sc_kernel(src_ids, tgt_padded, memory.T)
    connected_mask = (m0 | m1)[:_NUM_MEMORY].astype(jnp.bool_)
    return (vecs_t.T, connected_mask)

# --- scband reference (transcript-rebuilt; emitter-appended) ---
"""Pipeline reference for scband-memory-dictionary-37314675868095 (READ-ONLY COPY).

The authoritative reference and input builder live on the scoring server;
editing this copy changes nothing except your own understanding.
"""

import jax, jax.numpy as jnp
import numpy as np

NUM_MEMORY = 100000
NUM_DIMS = 64
BATCH = 1024
HIST = 50


def setup_inputs(seed: int = 0) -> dict:
    key = jax.random.key(seed)
    k1, k2, k3 = jax.random.split(key, 3)
    src_ids = jax.random.randint(k1, (BATCH,), 0, NUM_MEMORY, dtype=jnp.int32)
    tgt_ids = jax.random.randint(k2, (BATCH, HIST), 0, NUM_MEMORY, dtype=jnp.int32)
    # learned / stored parameter: the memory vector table (num_memory x num_dims)
    memory = jax.random.normal(k3, (NUM_MEMORY, NUM_DIMS), dtype=jnp.float32)
    return {"src_ids": src_ids, "tgt_ids": tgt_ids, "memory": memory}


def reference(src_ids, tgt_ids, memory):
    # --- format_tgt_ids: list-of-id-lists -> dense 2D bool mask [B, num_memory] ---
    # result = torch.zeros(B, num_memory, bool); result[i][ids] = True
    B = tgt_ids.shape[0]
    formatted = jnp.zeros((B, NUM_MEMORY), dtype=jnp.bool_)
    rows = jnp.arange(B, dtype=jnp.int32)[:, None]
    formatted = formatted.at[rows, tgt_ids].set(True)  # scatter-overwrite (connect)

    # --- trace(src_ids): union of connected memory ids across queried rows ---
    # represented as a bool mask over num_memory (duplicate-free id set)
    connected_mask = jnp.any(formatted, axis=0)

    # --- get_memory_vector(src_ids): 2D gather of memory vectors ---
    vecs = jnp.take(memory, src_ids, axis=0)

    return (vecs, connected_mask)

if __name__ == "__main__":
    import jax
    _d = setup_inputs()
    print(jax.jit(kernel)(*tuple(_d.values())))

</pallas_src>

<mosaic_0001>
#map = affine_map<(d0, d1) -> (0)>
#map1 = affine_map<(d0, d1) -> (0, 0)>
module attributes {stable_mosaic.version = 14 : i64} {
  func.func @_sc_kernel(%arg0: i32, %arg1: i32, %arg2: memref<1024xi32, #tpu.memory_space<hbm>>, %arg3: memref<512x128xi32, #tpu.memory_space<hbm>>, %arg4: memref<64x100000xf32, #tpu.memory_space<hbm>>, %arg5: memref<64x1024xf32, #tpu.memory_space<hbm>>, %arg6: memref<100352xi32, #tpu.memory_space<hbm>>, %arg7: memref<100352xi32, #tpu.memory_space<hbm>>, %arg8: memref<1024xi32, #tpu.memory_space<vmem>>, %arg9: memref<100000xf32, #tpu.memory_space<vmem>>, %arg10: memref<1024xf32, #tpu.memory_space<vmem>>, %arg11: memref<16x128xi32, #tpu.memory_space<vmem>>, %arg12: memref<128xi32, #tpu.memory_space<vmem>>, %arg13: memref<6272xi32, #tpu.memory_space<vmem>>, %arg14: memref<100352xi32, #tpu.memory_space<vmem_shared>>, %arg15: memref<!tpu.dma_semaphore, #tpu.memory_space<semaphore_mem>>, %arg16: memref<!tpu.dma_semaphore, #tpu.memory_space<semaphore_mem>>, %arg17: memref<!tpu.dma_semaphore, #tpu.memory_space<semaphore_mem>>, %arg18: memref<!tpu.dma_semaphore, #tpu.memory_space<semaphore_mem>>) attributes {dimension_semantics = [#tpu.dimension_semantics<core_parallel>, #tpu.dimension_semantics<subcore_parallel>], iteration_bounds = array<i64: 2, 16>, scalar_prefetch = 0 : i64, scratch_operands = 11 : i64, tpu.core_type = #tpu.core_type<sc_vector_subcore>, window_params = [{transform_indices = #map}, {transform_indices = #map1}, {transform_indices = #map1}, {transform_indices = #map1}, {transform_indices = #map}, {transform_indices = #map}]} {
    %mul3A = arith.constant 2 : i32
    %mul3A_0 = arith.muli %arg1, %mul3A : i32
    %add3A = arith.addi %mul3A_0, %arg0 : i32
    %mul3A_1 = arith.constant 2 : i32
    %mul3A_2 = arith.muli %add3A, %mul3A_1 : i32
    tpu.enqueue_dma source(%arg2 : memref<1024xi32, #tpu.memory_space<hbm>>) target(%arg8 : memref<1024xi32, #tpu.memory_space<vmem>>) target_semaphore(%arg18 : memref<!tpu.dma_semaphore, #tpu.memory_space<semaphore_mem>>)
    %dma_start3A = arith.constant 0 : i32
    %dma_start3A_3 = tpu.memref_slice %arg4[%mul3A_2, %dma_start3A] : memref<64x100000xf32, #tpu.memory_space<hbm>> -> memref<1x100000xf32, #tpu.memory_space<hbm>>
    %dma_start3A_4 = tpu.memref_squeeze %dma_start3A_3 : memref<1x100000xf32, #tpu.memory_space<hbm>> -> memref<100000xf32, #tpu.memory_space<hbm>>
    %dma_start3A_5 = arith.constant 0 : i32
    %dma_start3A_6 = tpu.memref_slice %arg4[%mul3A_2, %dma_start3A_5] : memref<64x100000xf32, #tpu.memory_space<hbm>> -> memref<1x100000xf32, #tpu.memory_space<hbm>>
    %dma_start3A_7 = tpu.memref_squeeze %dma_start3A_6 : memref<1x100000xf32, #tpu.memory_space<hbm>> -> memref<100000xf32, #tpu.memory_space<hbm>>
    tpu.enqueue_dma source(%dma_start3A_7 : memref<100000xf32, #tpu.memory_space<hbm>>) target(%arg9 : memref<100000xf32, #tpu.memory_space<vmem>>) target_semaphore(%arg15 : memref<!tpu.dma_semaphore, #tpu.memory_space<semaphore_mem>>)
    %broadcast_in_dim3A = arith.constant 1 : i32
    %broadcast_in_dim3A_8 = vector.broadcast %broadcast_in_dim3A : i32 to vector<16xi32>
    %broadcast_in_dim3A_9 = arith.constant 0 : i32
    %broadcast_in_dim3A_10 = vector.broadcast %broadcast_in_dim3A_9 : i32 to vector<16xi32>
    %swap3A = arith.constant 0 : index
    %swap3A_11 = tpu.vector_load %arg12[%swap3A] {strides = array<i32>} : memref<128xi32, #tpu.memory_space<vmem>>, vector<16xi32>,
    tpu.vector_store %arg12[%swap3A], %broadcast_in_dim3A_8 {strides = array<i32>} : memref<128xi32, #tpu.memory_space<vmem>>, vector<16xi32>,
    %swap3A_12 = arith.constant 16 : index
    %swap3A_13 = tpu.vector_load %arg12[%swap3A_12] {strides = array<i32>} : memref<128xi32, #tpu.memory_space<vmem>>, vector<16xi32>,
    tpu.vector_store %arg12[%swap3A_12], %broadcast_in_dim3A_8 {strides = array<i32>} : memref<128xi32, #tpu.memory_space<vmem>>, vector<16xi32>,
    %swap3A_14 = arith.constant 32 : index
    %swap3A_15 = tpu.vector_load %arg12[%swap3A_14] {strides = array<i32>} : memref<128xi32, #tpu.memory_space<vmem>>, vector<16xi32>,
    tpu.vector_store %arg12[%swap3A_14], %broadcast_in_dim3A_8 {strides = array<i32>} : memref<128xi32, #tpu.memory_space<vmem>>, vector<16xi32>,
    %swap3A_16 = arith.constant 48 : index
    %swap3A_17 = tpu.vector_load %arg12[%swap3A_16] {strides = array<i32>} : memref<128xi32, #tpu.memory_space<vmem>>, vector<16xi32>,
    tpu.vector_store %arg12[%swap3A_16], %broadcast_in_dim3A_8 {strides = array<i32>} : memref<128xi32, #tpu.memory_space<vmem>>, vector<16xi32>,
    %swap3A_18 = arith.constant 64 : index
    %swap3A_19 = tpu.vector_load %arg12[%swap3A_18] {strides = array<i32>} : memref<128xi32, #tpu.memory_space<vmem>>, vector<16xi32>,
    tpu.vector_store %arg12[%swap3A_18], %broadcast_in_dim3A_8 {strides = array<i32>} : memref<128xi32, #tpu.memory_space<vmem>>, vector<16xi32>,
    %swap3A_20 = arith.constant 80 : index
    %swap3A_21 = tpu.vector_load %arg12[%swap3A_20] {strides = array<i32>} : memref<128xi32, #tpu.memory_space<vmem>>, vector<16xi32>,
    tpu.vector_store %arg12[%swap3A_20], %broadcast_in_dim3A_8 {strides = array<i32>} : memref<128xi32, #tpu.memory_space<vmem>>, vector<16xi32>,
    %swap3A_22 = arith.constant 96 : index
    %swap3A_23 = tpu.vector_load %arg12[%swap3A_22] {strides = array<i32>} : memref<128xi32, #tpu.memory_space<vmem>>, vector<16xi32>,
    tpu.vector_store %arg12[%swap3A_22], %broadcast_in_dim3A_8 {strides = array<i32>} : memref<128xi32, #tpu.memory_space<vmem>>, vector<16xi32>,
    %swap3A_24 = arith.constant 112 : index
    %swap3A_25 = tpu.vector_load %arg12[%swap3A_24] {strides = array<i32>} : memref<128xi32, #tpu.memory_space<vmem>>, vector<16xi32>,
    tpu.vector_store %arg12[%swap3A_24], %broadcast_in_dim3A_8 {strides = array<i32>} : memref<128xi32, #tpu.memory_space<vmem>>, vector<16xi32>,
    %scan3A = arith.constant 0 : i32
    %scan3A_26 = arith.constant 0 : i32
    %scan3A_27 = arith.constant 392 : i32
    %scan3A_28 = arith.addi %scan3A_26, %scan3A_27 : i32
    %scan3A_29 = arith.constant 1 : i32
    scf.for %scan3A_296 = %scan3A_26 to %scan3A_28 step %scan3A_29  : i32 {
      %mul3A_297 = arith.constant 16 : i32
      %mul3A_298 = arith.muli %scan3A_296, %mul3A_297 : i32
      %swap3A_299 = arith.index_cast %mul3A_298 : i32 to index
      %swap3A_300 = tpu.vector_load %arg13[%swap3A_299] {strides = array<i32>} : memref<6272xi32, #tpu.memory_space<vmem>>, vector<16xi32>,
      tpu.vector_store %arg13[%swap3A_299], %broadcast_in_dim3A_10 {strides = array<i32>} : memref<6272xi32, #tpu.memory_space<vmem>>, vector<16xi32>,
    }
    %scan3A_30 = arith.constant 392 : i32
    %mul3A_31 = arith.constant 16 : i32
    %mul3A_32 = arith.muli %add3A, %mul3A_31 : i32
    "tpu.region"() ({
      %run_scoped3A = tpu.sem_alloc : memref<!tpu.dma_semaphore, #tpu.memory_space<semaphore_mem>>
      %dma_start3A_296 = arith.constant 0 : i32
      %dma_start3A_297 = tpu.memref_slice %arg3[%mul3A_32, %dma_start3A_296] : memref<512x128xi32, #tpu.memory_space<hbm>> -> memref<16x128xi32, #tpu.memory_space<hbm>>
      %dma_start3A_298 = arith.constant 0 : i32
      %dma_start3A_299 = tpu.memref_slice %arg3[%mul3A_32, %dma_start3A_298] : memref<512x128xi32, #tpu.memory_space<hbm>> -> memref<16x128xi32, #tpu.memory_space<hbm>>
      tpu.enqueue_dma source(%dma_start3A_299 : memref<16x128xi32, #tpu.memory_space<hbm>>) target(%arg11 : memref<16x128xi32, #tpu.memory_space<vmem>>) target_semaphore(%run_scoped3A : memref<!tpu.dma_semaphore, #tpu.memory_space<semaphore_mem>>)
      %dma_wait3A_300 = arith.constant 0 : i32
      %dma_wait3A_301 = tpu.memref_slice %arg3[%mul3A_32, %dma_wait3A_300] : memref<512x128xi32, #tpu.memory_space<hbm>> -> memref<16x128xi32, #tpu.memory_space<hbm>>
      %dma_wait3A_302 = arith.constant 0 : i32
      %dma_wait3A_303 = tpu.memref_slice %arg3[%mul3A_32, %dma_wait3A_302] : memref<512x128xi32, #tpu.memory_space<hbm>> -> memref<16x128xi32, #tpu.memory_space<hbm>>
      tpu.wait_dma2 semaphore(%run_scoped3A : memref<!tpu.dma_semaphore, #tpu.memory_space<semaphore_mem>>) src(%dma_wait3A_303 : memref<16x128xi32, #tpu.memory_space<hbm>>) dst(%arg11 : memref<16x128xi32, #tpu.memory_space<vmem>>)
      tpu.yield
    }) : () -> ()
    %mul3A_33 = arith.constant 6272 : i32
    %mul3A_34 = arith.muli %arg1, %mul3A_33 : i32
    "tpu.region"() ({
      %run_scoped3A = tpu.sem_alloc : memref<!tpu.dma_semaphore, #tpu.memory_space<semaphore_mem>>
      %dma_start3A_296 = tpu.memref_slice %arg14[%mul3A_34] : memref<100352xi32, #tpu.memory_space<vmem_shared>> -> memref<6272xi32, #tpu.memory_space<vmem_shared>>
      %dma_start3A_297 = tpu.memref_slice %arg14[%mul3A_34] : memref<100352xi32, #tpu.memory_space<vmem_shared>> -> memref<6272xi32, #tpu.memory_space<vmem_shared>>
      tpu.enqueue_dma source(%arg13 : memref<6272xi32, #tpu.memory_space<vmem>>) target(%dma_start3A_297 : memref<6272xi32, #tpu.memory_space<vmem_shared>>) target_semaphore(%run_scoped3A : memref<!tpu.dma_semaphore, #tpu.memory_space<semaphore_mem>>)
      %dma_wait3A_298 = tpu.memref_slice %arg14[%mul3A_34] : memref<100352xi32, #tpu.memory_space<vmem_shared>> -> memref<6272xi32, #tpu.memory_space<vmem_shared>>
      %dma_wait3A_299 = tpu.memref_slice %arg14[%mul3A_34] : memref<100352xi32, #tpu.memory_space<vmem_shared>> -> memref<6272xi32, #tpu.memory_space<vmem_shared>>
      tpu.wait_dma2 semaphore(%run_scoped3A : memref<!tpu.dma_semaphore, #tpu.memory_space<semaphore_mem>>) src(%arg13 : memref<6272xi32, #tpu.memory_space<vmem>>) dst(%dma_wait3A_299 : memref<6272xi32, #tpu.memory_space<vmem_shared>>)
      tpu.yield
    }) : () -> ()
    %barrier3A = arith.constant 0 : index
    tpu.barrier barrier_id(%barrier3A)
    %dma_start3A_35 = arith.constant 0 : i32
    %dma_start3A_36 = arith.constant 0 : i32
    %dma_start3A_37 = tpu.memref_slice %arg11[%dma_start3A_35, %dma_start3A_36] : memref<16x128xi32, #tpu.memory_space<vmem>> -> memref<1x128xi32, #tpu.memory_space<vmem>>
    %dma_start3A_38 = tpu.memref_squeeze %dma_start3A_37 : memref<1x128xi32, #tpu.memory_space<vmem>> -> memref<128xi32, #tpu.memory_space<vmem>>
    %dma_start3A_39 = arith.constant 0 : i32
    %dma_start3A_40 = tpu.memref_slice %arg14[%dma_start3A_39] : memref<100352xi32, #tpu.memory_space<vmem_shared>> -> memref<100352xi32, #tpu.memory_space<vmem_shared>>
    tpu.enqueue_indirect_dma source(%arg12 : memref<128xi32, #tpu.memory_space<vmem>>) target(%dma_start3A_40 : memref<100352xi32, #tpu.memory_space<vmem_shared>>) offsets(%dma_start3A_38 : memref<128xi32, #tpu.memory_space<vmem>>) semaphore(%arg16 : memref<!tpu.dma_semaphore, #tpu.memory_space<semaphore_mem>>)
    %dma_start3A_41 = arith.constant 1 : i32
    %dma_start3A_42 = arith.constant 0 : i32
    %dma_start3A_43 = tpu.memref_slice %arg11[%dma_start3A_41, %dma_start3A_42] : memref<16x128xi32, #tpu.memory_space<vmem>> -> memref<1x128xi32, #tpu.memory_space<vmem>>
    %dma_start3A_44 = tpu.memref_squeeze %dma_start3A_43 : memref<1x128xi32, #tpu.memory_space<vmem>> -> memref<128xi32, #tpu.memory_space<vmem>>
    %dma_start3A_45 = arith.constant 0 : i32
    %dma_start3A_46 = tpu.memref_slice %arg14[%dma_start3A_45] : memref<100352xi32, #tpu.memory_space<vmem_shared>> -> memref<100352xi32, #tpu.memory_space<vmem_shared>>
    tpu.enqueue_indirect_dma source(%arg12 : memref<128xi32, #tpu.memory_space<vmem>>) target(%dma_start3A_46 : memref<100352xi32, #tpu.memory_space<vmem_shared>>) offsets(%dma_start3A_44 : memref<128xi32, #tpu.memory_space<vmem>>) semaphore(%arg16 : memref<!tpu.dma_semaphore, #tpu.memory_space<semaphore_mem>>)
    %dma_start3A_47 = arith.constant 2 : i32
    %dma_start3A_48 = arith.constant 0 : i32
    %dma_start3A_49 = tpu.memref_slice %arg11[%dma_start3A_47, %dma_start3A_48] : memref<16x128xi32, #tpu.memory_space<vmem>> -> memref<1x128xi32, #tpu.memory_space<vmem>>
    %dma_start3A_50 = tpu.memref_squeeze %dma_start3A_49 : memref<1x128xi32, #tpu.memory_space<vmem>> -> memref<128xi32, #tpu.memory_space<vmem>>
    %dma_start3A_51 = arith.constant 0 : i32
    %dma_start3A_52 = tpu.memref_slice %arg14[%dma_start3A_51] : memref<100352xi32, #tpu.memory_space<vmem_shared>> -> memref<100352xi32, #tpu.memory_space<vmem_shared>>
    tpu.enqueue_indirect_dma source(%arg12 : memref<128xi32, #tpu.memory_space<vmem>>) target(%dma_start3A_52 : memref<100352xi32, #tpu.memory_space<vmem_shared>>) offsets(%dma_start3A_50 : memref<128xi32, #tpu.memory_space<vmem>>) semaphore(%arg16 : memref<!tpu.dma_semaphore, #tpu.memory_space<semaphore_mem>>)
    %dma_start3A_53 = arith.constant 3 : i32
    %dma_start3A_54 = arith.constant 0 : i32
    %dma_start3A_55 = tpu.memref_slice %arg11[%dma_start3A_53, %dma_start3A_54] : memref<16x128xi32, #tpu.memory_space<vmem>> -> memref<1x128xi32, #tpu.memory_space<vmem>>
    %dma_start3A_56 = tpu.memref_squeeze %dma_start3A_55 : memref<1x128xi32, #tpu.memory_space<vmem>> -> memref<128xi32, #tpu.memory_space<vmem>>
    %dma_start3A_57 = arith.constant 0 : i32
    %dma_start3A_58 = tpu.memref_slice %arg14[%dma_start3A_57] : memref<100352xi32, #tpu.memory_space<vmem_shared>> -> memref<100352xi32, #tpu.memory_space<vmem_shared>>
    tpu.enqueue_indirect_dma source(%arg12 : memref<128xi32, #tpu.memory_space<vmem>>) target(%dma_start3A_58 : memref<100352xi32, #tpu.memory_space<vmem_shared>>) offsets(%dma_start3A_56 : memref<128xi32, #tpu.memory_space<vmem>>) semaphore(%arg16 : memref<!tpu.dma_semaphore, #tpu.memory_space<semaphore_mem>>)
    %dma_start3A_59 = arith.constant 4 : i32
    %dma_start3A_60 = arith.constant 0 : i32
    %dma_start3A_61 = tpu.memref_slice %arg11[%dma_start3A_59, %dma_start3A_60] : memref<16x128xi32, #tpu.memory_space<vmem>> -> memref<1x128xi32, #tpu.memory_space<vmem>>
    %dma_start3A_62 = tpu.memref_squeeze %dma_start3A_61 : memref<1x128xi32, #tpu.memory_space<vmem>> -> memref<128xi32, #tpu.memory_space<vmem>>
    %dma_start3A_63 = arith.constant 0 : i32
    %dma_start3A_64 = tpu.memref_slice %arg14[%dma_start3A_63] : memref<100352xi32, #tpu.memory_space<vmem_shared>> -> memref<100352xi32, #tpu.memory_space<vmem_shared>>
    tpu.enqueue_indirect_dma source(%arg12 : memref<128xi32, #tpu.memory_space<vmem>>) target(%dma_start3A_64 : memref<100352xi32, #tpu.memory_space<vmem_shared>>) offsets(%dma_start3A_62 : memref<128xi32, #tpu.memory_space<vmem>>) semaphore(%arg16 : memref<!tpu.dma_semaphore, #tpu.memory_space<semaphore_mem>>)
    %dma_start3A_65 = arith.constant 5 : i32
    %dma_start3A_66 = arith.constant 0 : i32
    %dma_start3A_67 = tpu.memref_slice %arg11[%dma_start3A_65, %dma_start3A_66] : memref<16x128xi32, #tpu.memory_space<vmem>> -> memref<1x128xi32, #tpu.memory_space<vmem>>
    %dma_start3A_68 = tpu.memref_squeeze %dma_start3A_67 : memref<1x128xi32, #tpu.memory_space<vmem>> -> memref<128xi32, #tpu.memory_space<vmem>>
    %dma_start3A_69 = arith.constant 0 : i32
    %dma_start3A_70 = tpu.memref_slice %arg14[%dma_start3A_69] : memref<100352xi32, #tpu.memory_space<vmem_shared>> -> memref<100352xi32, #tpu.memory_space<vmem_shared>>
    tpu.enqueue_indirect_dma source(%arg12 : memref<128xi32, #tpu.memory_space<vmem>>) target(%dma_start3A_70 : memref<100352xi32, #tpu.memory_space<vmem_shared>>) offsets(%dma_start3A_68 : memref<128xi32, #tpu.memory_space<vmem>>) semaphore(%arg16 : memref<!tpu.dma_semaphore, #tpu.memory_space<semaphore_mem>>)
    %dma_start3A_71 = arith.constant 6 : i32
    %dma_start3A_72 = arith.constant 0 : i32
    %dma_start3A_73 = tpu.memref_slice %arg11[%dma_start3A_71, %dma_start3A_72] : memref<16x128xi32, #tpu.memory_space<vmem>> -> memref<1x128xi32, #tpu.memory_space<vmem>>
    %dma_start3A_74 = tpu.memref_squeeze %dma_start3A_73 : memref<1x128xi32, #tpu.memory_space<vmem>> -> memref<128xi32, #tpu.memory_space<vmem>>
    %dma_start3A_75 = arith.constant 0 : i32
    %dma_start3A_76 = tpu.memref_slice %arg14[%dma_start3A_75] : memref<100352xi32, #tpu.memory_space<vmem_shared>> -> memref<100352xi32, #tpu.memory_space<vmem_shared>>
    tpu.enqueue_indirect_dma source(%arg12 : memref<128xi32, #tpu.memory_space<vmem>>) target(%dma_start3A_76 : memref<100352xi32, #tpu.memory_space<vmem_shared>>) offsets(%dma_start3A_74 : memref<128xi32, #tpu.memory_space<vmem>>) semaphore(%arg16 : memref<!tpu.dma_semaphore, #tpu.memory_space<semaphore_mem>>)
    %dma_start3A_77 = arith.constant 7 : i32
    %dma_start3A_78 = arith.constant 0 : i32
    %dma_start3A_79 = tpu.memref_slice %arg11[%dma_start3A_77, %dma_start3A_78] : memref<16x128xi32, #tpu.memory_space<vmem>> -> memref<1x128xi32, #tpu.memory_space<vmem>>
    %dma_start3A_80 = tpu.memref_squeeze %dma_start3A_79 : memref<1x128xi32, #tpu.memory_space<vmem>> -> memref<128xi32, #tpu.memory_space<vmem>>
    %dma_start3A_81 = arith.constant 0 : i32
    %dma_start3A_82 = tpu.memref_slice %arg14[%dma_start3A_81] : memref<100352xi32, #tpu.memory_space<vmem_shared>> -> memref<100352xi32, #tpu.memory_space<vmem_shared>>
    tpu.enqueue_indirect_dma source(%arg12 : memref<128xi32, #tpu.memory_space<vmem>>) target(%dma_start3A_82 : memref<100352xi32, #tpu.memory_space<vmem_shared>>) offsets(%dma_start3A_80 : memref<128xi32, #tpu.memory_space<vmem>>) semaphore(%arg16 : memref<!tpu.dma_semaphore, #tpu.memory_space<semaphore_mem>>)
    %dma_start3A_83 = arith.constant 8 : i32
    %dma_start3A_84 = arith.constant 0 : i32
    %dma_start3A_85 = tpu.memref_slice %arg11[%dma_start3A_83, %dma_start3A_84] : memref<16x128xi32, #tpu.memory_space<vmem>> -> memref<1x128xi32, #tpu.memory_space<vmem>>
    %dma_start3A_86 = tpu.memref_squeeze %dma_start3A_85 : memref<1x128xi32, #tpu.memory_space<vmem>> -> memref<128xi32, #tpu.memory_space<vmem>>
    %dma_start3A_87 = arith.constant 0 : i32
    %dma_start3A_88 = tpu.memref_slice %arg14[%dma_start3A_87] : memref<100352xi32, #tpu.memory_space<vmem_shared>> -> memref<100352xi32, #tpu.memory_space<vmem_shared>>
    tpu.enqueue_indirect_dma source(%arg12 : memref<128xi32, #tpu.memory_space<vmem>>) target(%dma_start3A_88 : memref<100352xi32, #tpu.memory_space<vmem_shared>>) offsets(%dma_start3A_86 : memref<128xi32, #tpu.memory_space<vmem>>) semaphore(%arg16 : memref<!tpu.dma_semaphore, #tpu.memory_space<semaphore_mem>>)
    %dma_start3A_89 = arith.constant 9 : i32
    %dma_start3A_90 = arith.constant 0 : i32
    %dma_start3A_91 = tpu.memref_slice %arg11[%dma_start3A_89, %dma_start3A_90] : memref<16x128xi32, #tpu.memory_space<vmem>> -> memref<1x128xi32, #tpu.memory_space<vmem>>
    %dma_start3A_92 = tpu.memref_squeeze %dma_start3A_91 : memref<1x128xi32, #tpu.memory_space<vmem>> -> memref<128xi32, #tpu.memory_space<vmem>>
    %dma_start3A_93 = arith.constant 0 : i32
    %dma_start3A_94 = tpu.memref_slice %arg14[%dma_start3A_93] : memref<100352xi32, #tpu.memory_space<vmem_shared>> -> memref<100352xi32, #tpu.memory_space<vmem_shared>>
    tpu.enqueue_indirect_dma source(%arg12 : memref<128xi32, #tpu.memory_space<vmem>>) target(%dma_start3A_94 : memref<100352xi32, #tpu.memory_space<vmem_shared>>) offsets(%dma_start3A_92 : memref<128xi32, #tpu.memory_space<vmem>>) semaphore(%arg16 : memref<!tpu.dma_semaphore, #tpu.memory_space<semaphore_mem>>)
    %dma_start3A_95 = arith.constant 10 : i32
    %dma_start3A_96 = arith.constant 0 : i32
    %dma_start3A_97 = tpu.memref_slice %arg11[%dma_start3A_95, %dma_start3A_96] : memref<16x128xi32, #tpu.memory_space<vmem>> -> memref<1x128xi32, #tpu.memory_space<vmem>>
    %dma_start3A_98 = tpu.memref_squeeze %dma_start3A_97 : memref<1x128xi32, #tpu.memory_space<vmem>> -> memref<128xi32, #tpu.memory_space<vmem>>
    %dma_start3A_99 = arith.constant 0 : i32
    %dma_start3A_100 = tpu.memref_slice %arg14[%dma_start3A_99] : memref<100352xi32, #tpu.memory_space<vmem_shared>> -> memref<100352xi32, #tpu.memory_space<vmem_shared>>
    tpu.enqueue_indirect_dma source(%arg12 : memref<128xi32, #tpu.memory_space<vmem>>) target(%dma_start3A_100 : memref<100352xi32, #tpu.memory_space<vmem_shared>>) offsets(%dma_start3A_98 : memref<128xi32, #tpu.memory_space<vmem>>) semaphore(%arg16 : memref<!tpu.dma_semaphore, #tpu.memory_space<semaphore_mem>>)
    %dma_start3A_101 = arith.constant 11 : i32
    %dma_start3A_102 = arith.constant 0 : i32
    %dma_start3A_103 = tpu.memref_slice %arg11[%dma_start3A_101, %dma_start3A_102] : memref<16x128xi32, #tpu.memory_space<vmem>> -> memref<1x128xi32, #tpu.memory_space<vmem>>
    %dma_start3A_104 = tpu.memref_squeeze %dma_start3A_103 : memref<1x128xi32, #tpu.memory_space<vmem>> -> memref<128xi32, #tpu.memory_space<vmem>>
    %dma_start3A_105 = arith.constant 0 : i32
    %dma_start3A_106 = tpu.memref_slice %arg14[%dma_start3A_105] : memref<100352xi32, #tpu.memory_space<vmem_shared>> -> memref<100352xi32, #tpu.memory_space<vmem_shared>>
    tpu.enqueue_indirect_dma source(%arg12 : memref<128xi32, #tpu.memory_space<vmem>>) target(%dma_start3A_106 : memref<100352xi32, #tpu.memory_space<vmem_shared>>) offsets(%dma_start3A_104 : memref<128xi32, #tpu.memory_space<vmem>>) semaphore(%arg16 : memref<!tpu.dma_semaphore, #tpu.memory_space<semaphore_mem>>)
    %dma_start3A_107 = arith.constant 12 : i32
    %dma_start3A_108 = arith.constant 0 : i32
    %dma_start3A_109 = tpu.memref_slice %arg11[%dma_start3A_107, %dma_start3A_108] : memref<16x128xi32, #tpu.memory_space<vmem>> -> memref<1x128xi32, #tpu.memory_space<vmem>>
    %dma_start3A_110 = tpu.memref_squeeze %dma_start3A_109 : memref<1x128xi32, #tpu.memory_space<vmem>> -> memref<128xi32, #tpu.memory_space<vmem>>
    %dma_start3A_111 = arith.constant 0 : i32
    %dma_start3A_112 = tpu.memref_slice %arg14[%dma_start3A_111] : memref<100352xi32, #tpu.memory_space<vmem_shared>> -> memref<100352xi32, #tpu.memory_space<vmem_shared>>
    tpu.enqueue_indirect_dma source(%arg12 : memref<128xi32, #tpu.memory_space<vmem>>) target(%dma_start3A_112 : memref<100352xi32, #tpu.memory_space<vmem_shared>>) offsets(%dma_start3A_110 : memref<128xi32, #tpu.memory_space<vmem>>) semaphore(%arg16 : memref<!tpu.dma_semaphore, #tpu.memory_space<semaphore_mem>>)
    %dma_start3A_113 = arith.constant 13 : i32
    %dma_start3A_114 = arith.constant 0 : i32
    %dma_start3A_115 = tpu.memref_slice %arg11[%dma_start3A_113, %dma_start3A_114] : memref<16x128xi32, #tpu.memory_space<vmem>> -> memref<1x128xi32, #tpu.memory_space<vmem>>
    %dma_start3A_116 = tpu.memref_squeeze %dma_start3A_115 : memref<1x128xi32, #tpu.memory_space<vmem>> -> memref<128xi32, #tpu.memory_space<vmem>>
    %dma_start3A_117 = arith.constant 0 : i32
    %dma_start3A_118 = tpu.memref_slice %arg14[%dma_start3A_117] : memref<100352xi32, #tpu.memory_space<vmem_shared>> -> memref<100352xi32, #tpu.memory_space<vmem_shared>>
    tpu.enqueue_indirect_dma source(%arg12 : memref<128xi32, #tpu.memory_space<vmem>>) target(%dma_start3A_118 : memref<100352xi32, #tpu.memory_space<vmem_shared>>) offsets(%dma_start3A_116 : memref<128xi32, #tpu.memory_space<vmem>>) semaphore(%arg16 : memref<!tpu.dma_semaphore, #tpu.memory_space<semaphore_mem>>)
    %dma_start3A_119 = arith.constant 14 : i32
    %dma_start3A_120 = arith.constant 0 : i32
    %dma_start3A_121 = tpu.memref_slice %arg11[%dma_start3A_119, %dma_start3A_120] : memref<16x128xi32, #tpu.memory_space<vmem>> -> memref<1x128xi32, #tpu.memory_space<vmem>>
    %dma_start3A_122 = tpu.memref_squeeze %dma_start3A_121 : memref<1x128xi32, #tpu.memory_space<vmem>> -> memref<128xi32, #tpu.memory_space<vmem>>
    %dma_start3A_123 = arith.constant 0 : i32
    %dma_start3A_124 = tpu.memref_slice %arg14[%dma_start3A_123] : memref<100352xi32, #tpu.memory_space<vmem_shared>> -> memref<100352xi32, #tpu.memory_space<vmem_shared>>
    tpu.enqueue_indirect_dma source(%arg12 : memref<128xi32, #tpu.memory_space<vmem>>) target(%dma_start3A_124 : memref<100352xi32, #tpu.memory_space<vmem_shared>>) offsets(%dma_start3A_122 : memref<128xi32, #tpu.memory_space<vmem>>) semaphore(%arg16 : memref<!tpu.dma_semaphore, #tpu.memory_space<semaphore_mem>>)
    %dma_start3A_125 = arith.constant 15 : i32
    %dma_start3A_126 = arith.constant 0 : i32
    %dma_start3A_127 = tpu.memref_slice %arg11[%dma_start3A_125, %dma_start3A_126] : memref<16x128xi32, #tpu.memory_space<vmem>> -> memref<1x128xi32, #tpu.memory_space<vmem>>
    %dma_start3A_128 = tpu.memref_squeeze %dma_start3A_127 : memref<1x128xi32, #tpu.memory_space<vmem>> -> memref<128xi32, #tpu.memory_space<vmem>>
    %dma_start3A_129 = arith.constant 0 : i32
    %dma_start3A_130 = tpu.memref_slice %arg14[%dma_start3A_129] : memref<100352xi32, #tpu.memory_space<vmem_shared>> -> memref<100352xi32, #tpu.memory_space<vmem_shared>>
    tpu.enqueue_indirect_dma source(%arg12 : memref<128xi32, #tpu.memory_space<vmem>>) target(%dma_start3A_130 : memref<100352xi32, #tpu.memory_space<vmem_shared>>) offsets(%dma_start3A_128 : memref<128xi32, #tpu.memory_space<vmem>>) semaphore(%arg16 : memref<!tpu.dma_semaphore, #tpu.memory_space<semaphore_mem>>)
    %dma_wait3A = arith.constant 0 : i32
    %dma_wait3A_131 = arith.constant 0 : i32
    %dma_wait3A_132 = tpu.memref_slice %arg11[%dma_wait3A, %dma_wait3A_131] : memref<16x128xi32, #tpu.memory_space<vmem>> -> memref<1x128xi32, #tpu.memory_space<vmem>>
    %dma_wait3A_133 = tpu.memref_squeeze %dma_wait3A_132 : memref<1x128xi32, #tpu.memory_space<vmem>> -> memref<128xi32, #tpu.memory_space<vmem>>
    %dma_wait3A_134 = arith.constant 0 : i32
    %dma_wait3A_135 = tpu.memref_slice %arg14[%dma_wait3A_134] : memref<100352xi32, #tpu.memory_space<vmem_shared>> -> memref<100352xi32, #tpu.memory_space<vmem_shared>>
    tpu.wait_indirect_dma semaphore(%arg16 : memref<!tpu.dma_semaphore, #tpu.memory_space<semaphore_mem>>) src(%arg12 : memref<128xi32, #tpu.memory_space<vmem>>) dst(%dma_wait3A_135 : memref<100352xi32, #tpu.memory_space<vmem_shared>>)
    %dma_wait3A_136 = arith.constant 1 : i32
    %dma_wait3A_137 = arith.constant 0 : i32
    %dma_wait3A_138 = tpu.memref_slice %arg11[%dma_wait3A_136, %dma_wait3A_137] : memref<16x128xi32, #tpu.memory_space<vmem>> -> memref<1x128xi32, #tpu.memory_space<vmem>>
    %dma_wait3A_139 = tpu.memref_squeeze %dma_wait3A_138 : memref<1x128xi32, #tpu.memory_space<vmem>> -> memref<128xi32, #tpu.memory_space<vmem>>
    %dma_wait3A_140 = arith.constant 0 : i32
    %dma_wait3A_141 = tpu.memref_slice %arg14[%dma_wait3A_140] : memref<100352xi32, #tpu.memory_space<vmem_shared>> -> memref<100352xi32, #tpu.memory_space<vmem_shared>>
    tpu.wait_indirect_dma semaphore(%arg16 : memref<!tpu.dma_semaphore, #tpu.memory_space<semaphore_mem>>) src(%arg12 : memref<128xi32, #tpu.memory_space<vmem>>) dst(%dma_wait3A_141 : memref<100352xi32, #tpu.memory_space<vmem_shared>>)
    %dma_wait3A_142 = arith.constant 2 : i32
    %dma_wait3A_143 = arith.constant 0 : i32
    %dma_wait3A_144 = tpu.memref_slice %arg11[%dma_wait3A_142, %dma_wait3A_143] : memref<16x128xi32, #tpu.memory_space<vmem>> -> memref<1x128xi32, #tpu.memory_space<vmem>>
    %dma_wait3A_145 = tpu.memref_squeeze %dma_wait3A_144 : memref<1x128xi32, #tpu.memory_space<vmem>> -> memref<128xi32, #tpu.memory_space<vmem>>
    %dma_wait3A_146 = arith.constant 0 : i32
    %dma_wait3A_147 = tpu.memref_slice %arg14[%dma_wait3A_146] : memref<100352xi32, #tpu.memory_space<vmem_shared>> -> memref<100352xi32, #tpu.memory_space<vmem_shared>>
    tpu.wait_indirect_dma semaphore(%arg16 : memref<!tpu.dma_semaphore, #tpu.memory_space<semaphore_mem>>) src(%arg12 : memref<128xi32, #tpu.memory_space<vmem>>) dst(%dma_wait3A_147 : memref<100352xi32, #tpu.memory_space<vmem_shared>>)
    %dma_wait3A_148 = arith.constant 3 : i32
    %dma_wait3A_149 = arith.constant 0 : i32
    %dma_wait3A_150 = tpu.memref_slice %arg11[%dma_wait3A_148, %dma_wait3A_149] : memref<16x128xi32, #tpu.memory_space<vmem>> -> memref<1x128xi32, #tpu.memory_space<vmem>>
    %dma_wait3A_151 = tpu.memref_squeeze %dma_wait3A_150 : memref<1x128xi32, #tpu.memory_space<vmem>> -> memref<128xi32, #tpu.memory_space<vmem>>
    %dma_wait3A_152 = arith.constant 0 : i32
    %dma_wait3A_153 = tpu.memref_slice %arg14[%dma_wait3A_152] : memref<100352xi32, #tpu.memory_space<vmem_shared>> -> memref<100352xi32, #tpu.memory_space<vmem_shared>>
    tpu.wait_indirect_dma semaphore(%arg16 : memref<!tpu.dma_semaphore, #tpu.memory_space<semaphore_mem>>) src(%arg12 : memref<128xi32, #tpu.memory_space<vmem>>) dst(%dma_wait3A_153 : memref<100352xi32, #tpu.memory_space<vmem_shared>>)
    %dma_wait3A_154 = arith.constant 4 : i32
    %dma_wait3A_155 = arith.constant 0 : i32
    %dma_wait3A_156 = tpu.memref_slice %arg11[%dma_wait3A_154, %dma_wait3A_155] : memref<16x128xi32, #tpu.memory_space<vmem>> -> memref<1x128xi32, #tpu.memory_space<vmem>>
    %dma_wait3A_157 = tpu.memref_squeeze %dma_wait3A_156 : memref<1x128xi32, #tpu.memory_space<vmem>> -> memref<128xi32, #tpu.memory_space<vmem>>
    %dma_wait3A_158 = arith.constant 0 : i32
    %dma_wait3A_159 = tpu.memref_slice %arg14[%dma_wait3A_158] : memref<100352xi32, #tpu.memory_space<vmem_shared>> -> memref<100352xi32, #tpu.memory_space<vmem_shared>>
    tpu.wait_indirect_dma semaphore(%arg16 : memref<!tpu.dma_semaphore, #tpu.memory_space<semaphore_mem>>) src(%arg12 : memref<128xi32, #tpu.memory_space<vmem>>) dst(%dma_wait3A_159 : memref<100352xi32, #tpu.memory_space<vmem_shared>>)
    %dma_wait3A_160 = arith.constant 5 : i32
    %dma_wait3A_161 = arith.constant 0 : i32
    %dma_wait3A_162 = tpu.memref_slice %arg11[%dma_wait3A_160, %dma_wait3A_161] : memref<16x128xi32, #tpu.memory_space<vmem>> -> memref<1x128xi32, #tpu.memory_space<vmem>>
    %dma_wait3A_163 = tpu.memref_squeeze %dma_wait3A_162 : memref<1x128xi32, #tpu.memory_space<vmem>> -> memref<128xi32, #tpu.memory_space<vmem>>
    %dma_wait3A_164 = arith.constant 0 : i32
    %dma_wait3A_165 = tpu.memref_slice %arg14[%dma_wait3A_164] : memref<100352xi32, #tpu.memory_space<vmem_shared>> -> memref<100352xi32, #tpu.memory_space<vmem_shared>>
    tpu.wait_indirect_dma semaphore(%arg16 : memref<!tpu.dma_semaphore, #tpu.memory_space<semaphore_mem>>) src(%arg12 : memref<128xi32, #tpu.memory_space<vmem>>) dst(%dma_wait3A_165 : memref<100352xi32, #tpu.memory_space<vmem_shared>>)
    %dma_wait3A_166 = arith.constant 6 : i32
    %dma_wait3A_167 = arith.constant 0 : i32
    %dma_wait3A_168 = tpu.memref_slice %arg11[%dma_wait3A_166, %dma_wait3A_167] : memref<16x128xi32, #tpu.memory_space<vmem>> -> memref<1x128xi32, #tpu.memory_space<vmem>>
    %dma_wait3A_169 = tpu.memref_squeeze %dma_wait3A_168 : memref<1x128xi32, #tpu.memory_space<vmem>> -> memref<128xi32, #tpu.memory_space<vmem>>
    %dma_wait3A_170 = arith.constant 0 : i32
    %dma_wait3A_171 = tpu.memref_slice %arg14[%dma_wait3A_170] : memref<100352xi32, #tpu.memory_space<vmem_shared>> -> memref<100352xi32, #tpu.memory_space<vmem_shared>>
    tpu.wait_indirect_dma semaphore(%arg16 : memref<!tpu.dma_semaphore, #tpu.memory_space<semaphore_mem>>) src(%arg12 : memref<128xi32, #tpu.memory_space<vmem>>) dst(%dma_wait3A_171 : memref<100352xi32, #tpu.memory_space<vmem_shared>>)
    %dma_wait3A_172 = arith.constant 7 : i32
    %dma_wait3A_173 = arith.constant 0 : i32
    %dma_wait3A_174 = tpu.memref_slice %arg11[%dma_wait3A_172, %dma_wait3A_173] : memref<16x128xi32, #tpu.memory_space<vmem>> -> memref<1x128xi32, #tpu.memory_space<vmem>>
    %dma_wait3A_175 = tpu.memref_squeeze %dma_wait3A_174 : memref<1x128xi32, #tpu.memory_space<vmem>> -> memref<128xi32, #tpu.memory_space<vmem>>
    %dma_wait3A_176 = arith.constant 0 : i32
    %dma_wait3A_177 = tpu.memref_slice %arg14[%dma_wait3A_176] : memref<100352xi32, #tpu.memory_space<vmem_shared>> -> memref<100352xi32, #tpu.memory_space<vmem_shared>>
    tpu.wait_indirect_dma semaphore(%arg16 : memref<!tpu.dma_semaphore, #tpu.memory_space<semaphore_mem>>) src(%arg12 : memref<128xi32, #tpu.memory_space<vmem>>) dst(%dma_wait3A_177 : memref<100352xi32, #tpu.memory_space<vmem_shared>>)
    %dma_wait3A_178 = arith.constant 8 : i32
    %dma_wait3A_179 = arith.constant 0 : i32
    %dma_wait3A_180 = tpu.memref_slice %arg11[%dma_wait3A_178, %dma_wait3A_179] : memref<16x128xi32, #tpu.memory_space<vmem>> -> memref<1x128xi32, #tpu.memory_space<vmem>>
    %dma_wait3A_181 = tpu.memref_squeeze %dma_wait3A_180 : memref<1x128xi32, #tpu.memory_space<vmem>> -> memref<128xi32, #tpu.memory_space<vmem>>
    %dma_wait3A_182 = arith.constant 0 : i32
    %dma_wait3A_183 = tpu.memref_slice %arg14[%dma_wait3A_182] : memref<100352xi32, #tpu.memory_space<vmem_shared>> -> memref<100352xi32, #tpu.memory_space<vmem_shared>>
    tpu.wait_indirect_dma semaphore(%arg16 : memref<!tpu.dma_semaphore, #tpu.memory_space<semaphore_mem>>) src(%arg12 : memref<128xi32, #tpu.memory_space<vmem>>) dst(%dma_wait3A_183 : memref<100352xi32, #tpu.memory_space<vmem_shared>>)
    %dma_wait3A_184 = arith.constant 9 : i32
    %dma_wait3A_185 = arith.constant 0 : i32
    %dma_wait3A_186 = tpu.memref_slice %arg11[%dma_wait3A_184, %dma_wait3A_185] : memref<16x128xi32, #tpu.memory_space<vmem>> -> memref<1x128xi32, #tpu.memory_space<vmem>>
    %dma_wait3A_187 = tpu.memref_squeeze %dma_wait3A_186 : memref<1x128xi32, #tpu.memory_space<vmem>> -> memref<128xi32, #tpu.memory_space<vmem>>
    %dma_wait3A_188 = arith.constant 0 : i32
    %dma_wait3A_189 = tpu.memref_slice %arg14[%dma_wait3A_188] : memref<100352xi32, #tpu.memory_space<vmem_shared>> -> memref<100352xi32, #tpu.memory_space<vmem_shared>>
    tpu.wait_indirect_dma semaphore(%arg16 : memref<!tpu.dma_semaphore, #tpu.memory_space<semaphore_mem>>) src(%arg12 : memref<128xi32, #tpu.memory_space<vmem>>) dst(%dma_wait3A_189 : memref<100352xi32, #tpu.memory_space<vmem_shared>>)
    %dma_wait3A_190 = arith.constant 10 : i32
    %dma_wait3A_191 = arith.constant 0 : i32
    %dma_wait3A_192 = tpu.memref_slice %arg11[%dma_wait3A_190, %dma_wait3A_191] : memref<16x128xi32, #tpu.memory_space<vmem>> -> memref<1x128xi32, #tpu.memory_space<vmem>>
    %dma_wait3A_193 = tpu.memref_squeeze %dma_wait3A_192 : memref<1x128xi32, #tpu.memory_space<vmem>> -> memref<128xi32, #tpu.memory_space<vmem>>
    %dma_wait3A_194 = arith.constant 0 : i32
    %dma_wait3A_195 = tpu.memref_slice %arg14[%dma_wait3A_194] : memref<100352xi32, #tpu.memory_space<vmem_shared>> -> memref<100352xi32, #tpu.memory_space<vmem_shared>>
    tpu.wait_indirect_dma semaphore(%arg16 : memref<!tpu.dma_semaphore, #tpu.memory_space<semaphore_mem>>) src(%arg12 : memref<128xi32, #tpu.memory_space<vmem>>) dst(%dma_wait3A_195 : memref<100352xi32, #tpu.memory_space<vmem_shared>>)
    %dma_wait3A_196 = arith.constant 11 : i32
    %dma_wait3A_197 = arith.constant 0 : i32
    %dma_wait3A_198 = tpu.memref_slice %arg11[%dma_wait3A_196, %dma_wait3A_197] : memref<16x128xi32, #tpu.memory_space<vmem>> -> memref<1x128xi32, #tpu.memory_space<vmem>>
    %dma_wait3A_199 = tpu.memref_squeeze %dma_wait3A_198 : memref<1x128xi32, #tpu.memory_space<vmem>> -> memref<128xi32, #tpu.memory_space<vmem>>
    %dma_wait3A_200 = arith.constant 0 : i32
    %dma_wait3A_201 = tpu.memref_slice %arg14[%dma_wait3A_200] : memref<100352xi32, #tpu.memory_space<vmem_shared>> -> memref<100352xi32, #tpu.memory_space<vmem_shared>>
    tpu.wait_indirect_dma semaphore(%arg16 : memref<!tpu.dma_semaphore, #tpu.memory_space<semaphore_mem>>) src(%arg12 : memref<128xi32, #tpu.memory_space<vmem>>) dst(%dma_wait3A_201 : memref<100352xi32, #tpu.memory_space<vmem_shared>>)
    %dma_wait3A_202 = arith.constant 12 : i32
    %dma_wait3A_203 = arith.constant 0 : i32
    %dma_wait3A_204 = tpu.memref_slice %arg11[%dma_wait3A_202, %dma_wait3A_203] : memref<16x128xi32, #tpu.memory_space<vmem>> -> memref<1x128xi32, #tpu.memory_space<vmem>>
    %dma_wait3A_205 = tpu.memref_squeeze %dma_wait3A_204 : memref<1x128xi32, #tpu.memory_space<vmem>> -> memref<128xi32, #tpu.memory_space<vmem>>
    %dma_wait3A_206 = arith.constant 0 : i32
    %dma_wait3A_207 = tpu.memref_slice %arg14[%dma_wait3A_206] : memref<100352xi32, #tpu.memory_space<vmem_shared>> -> memref<100352xi32, #tpu.memory_space<vmem_shared>>
    tpu.wait_indirect_dma semaphore(%arg16 : memref<!tpu.dma_semaphore, #tpu.memory_space<semaphore_mem>>) src(%arg12 : memref<128xi32, #tpu.memory_space<vmem>>) dst(%dma_wait3A_207 : memref<100352xi32, #tpu.memory_space<vmem_shared>>)
    %dma_wait3A_208 = arith.constant 13 : i32
    %dma_wait3A_209 = arith.constant 0 : i32
    %dma_wait3A_210 = tpu.memref_slice %arg11[%dma_wait3A_208, %dma_wait3A_209] : memref<16x128xi32, #tpu.memory_space<vmem>> -> memref<1x128xi32, #tpu.memory_space<vmem>>
    %dma_wait3A_211 = tpu.memref_squeeze %dma_wait3A_210 : memref<1x128xi32, #tpu.memory_space<vmem>> -> memref<128xi32, #tpu.memory_space<vmem>>
    %dma_wait3A_212 = arith.constant 0 : i32
    %dma_wait3A_213 = tpu.memref_slice %arg14[%dma_wait3A_212] : memref<100352xi32, #tpu.memory_space<vmem_shared>> -> memref<100352xi32, #tpu.memory_space<vmem_shared>>
    tpu.wait_indirect_dma semaphore(%arg16 : memref<!tpu.dma_semaphore, #tpu.memory_space<semaphore_mem>>) src(%arg12 : memref<128xi32, #tpu.memory_space<vmem>>) dst(%dma_wait3A_213 : memref<100352xi32, #tpu.memory_space<vmem_shared>>)
    %dma_wait3A_214 = arith.constant 14 : i32
    %dma_wait3A_215 = arith.constant 0 : i32
    %dma_wait3A_216 = tpu.memref_slice %arg11[%dma_wait3A_214, %dma_wait3A_215] : memref<16x128xi32, #tpu.memory_space<vmem>> -> memref<1x128xi32, #tpu.memory_space<vmem>>
    %dma_wait3A_217 = tpu.memref_squeeze %dma_wait3A_216 : memref<1x128xi32, #tpu.memory_space<vmem>> -> memref<128xi32, #tpu.memory_space<vmem>>
    %dma_wait3A_218 = arith.constant 0 : i32
    %dma_wait3A_219 = tpu.memref_slice %arg14[%dma_wait3A_218] : memref<100352xi32, #tpu.memory_space<vmem_shared>> -> memref<100352xi32, #tpu.memory_space<vmem_shared>>
    tpu.wait_indirect_dma semaphore(%arg16 : memref<!tpu.dma_semaphore, #tpu.memory_space<semaphore_mem>>) src(%arg12 : memref<128xi32, #tpu.memory_space<vmem>>) dst(%dma_wait3A_219 : memref<100352xi32, #tpu.memory_space<vmem_shared>>)
    %dma_wait3A_220 = arith.constant 15 : i32
    %dma_wait3A_221 = arith.constant 0 : i32
    %dma_wait3A_222 = tpu.memref_slice %arg11[%dma_wait3A_220, %dma_wait3A_221] : memref<16x128xi32, #tpu.memory_space<vmem>> -> memref<1x128xi32, #tpu.memory_space<vmem>>
    %dma_wait3A_223 = tpu.memref_squeeze %dma_wait3A_222 : memref<1x128xi32, #tpu.memory_space<vmem>> -> memref<128xi32, #tpu.memory_space<vmem>>
    %dma_wait3A_224 = arith.constant 0 : i32
    %dma_wait3A_225 = tpu.memref_slice %arg14[%dma_wait3A_224] : memref<100352xi32, #tpu.memory_space<vmem_shared>> -> memref<100352xi32, #tpu.memory_space<vmem_shared>>
    tpu.wait_indirect_dma semaphore(%arg16 : memref<!tpu.dma_semaphore, #tpu.memory_space<semaphore_mem>>) src(%arg12 : memref<128xi32, #tpu.memory_space<vmem>>) dst(%dma_wait3A_225 : memref<100352xi32, #tpu.memory_space<vmem_shared>>)
    %barrier3A_226 = arith.constant 0 : index
    tpu.barrier barrier_id(%barrier3A_226)
    %eq3A = arith.constant 0 : i32
    %eq3A_227 = arith.cmpi eq, %arg0, %eq3A : i32
    %convert_element_type3A = arith.extui %eq3A_227 : i1 to i32
    %cond3A = arith.constant 0 : i32
    %cond3A_228 = arith.cmpi ne, %convert_element_type3A, %cond3A : i32
    scf.if %cond3A_228 {
      "tpu.region"() ({
        %run_scoped3A = tpu.sem_alloc : memref<!tpu.dma_semaphore, #tpu.memory_space<semaphore_mem>>
        %dma_start3A_296 = tpu.memref_slice %arg6[%mul3A_34] : memref<100352xi32, #tpu.memory_space<hbm>> -> memref<6272xi32, #tpu.memory_space<hbm>>
        %dma_start3A_297 = tpu.memref_slice %arg14[%mul3A_34] : memref<100352xi32, #tpu.memory_space<vmem_shared>> -> memref<6272xi32, #tpu.memory_space<vmem_shared>>
        tpu.enqueue_dma source(%dma_start3A_297 : memref<6272xi32, #tpu.memory_space<vmem_shared>>) target(%dma_start3A_296 : memref<6272xi32, #tpu.memory_space<hbm>>) target_semaphore(%run_scoped3A : memref<!tpu.dma_semaphore, #tpu.memory_space<semaphore_mem>>)
        %dma_wait3A_298 = tpu.memref_slice %arg6[%mul3A_34] : memref<100352xi32, #tpu.memory_space<hbm>> -> memref<6272xi32, #tpu.memory_space<hbm>>
        %dma_wait3A_299 = tpu.memref_slice %arg14[%mul3A_34] : memref<100352xi32, #tpu.memory_space<vmem_shared>> -> memref<6272xi32, #tpu.memory_space<vmem_shared>>
        tpu.wait_dma2 semaphore(%run_scoped3A : memref<!tpu.dma_semaphore, #tpu.memory_space<semaphore_mem>>) src(%dma_wait3A_299 : memref<6272xi32, #tpu.memory_space<vmem_shared>>) dst(%dma_wait3A_298 : memref<6272xi32, #tpu.memory_space<hbm>>)
        tpu.yield
      }) : () -> ()
    } else {
    }
    %eq3A_229 = arith.constant 1 : i32
    %eq3A_230 = arith.cmpi eq, %arg0, %eq3A_229 : i32
    %convert_element_type3A_231 = arith.extui %eq3A_230 : i1 to i32
    %cond3A_232 = arith.constant 0 : i32
    %cond3A_233 = arith.cmpi ne, %convert_element_type3A_231, %cond3A_232 : i32
    scf.if %cond3A_233 {
      "tpu.region"() ({
        %run_scoped3A = tpu.sem_alloc : memref<!tpu.dma_semaphore, #tpu.memory_space<semaphore_mem>>
        %dma_start3A_296 = tpu.memref_slice %arg7[%mul3A_34] : memref<100352xi32, #tpu.memory_space<hbm>> -> memref<6272xi32, #tpu.memory_space<hbm>>
        %dma_start3A_297 = tpu.memref_slice %arg14[%mul3A_34] : memref<100352xi32, #tpu.memory_space<vmem_shared>> -> memref<6272xi32, #tpu.memory_space<vmem_shared>>
        tpu.enqueue_dma source(%dma_start3A_297 : memref<6272xi32, #tpu.memory_space<vmem_shared>>) target(%dma_start3A_296 : memref<6272xi32, #tpu.memory_space<hbm>>) target_semaphore(%run_scoped3A : memref<!tpu.dma_semaphore, #tpu.memory_space<semaphore_mem>>)
        %dma_wait3A_298 = tpu.memref_slice %arg7[%mul3A_34] : memref<100352xi32, #tpu.memory_space<hbm>> -> memref<6272xi32, #tpu.memory_space<hbm>>
        %dma_wait3A_299 = tpu.memref_slice %arg14[%mul3A_34] : memref<100352xi32, #tpu.memory_space<vmem_shared>> -> memref<6272xi32, #tpu.memory_space<vmem_shared>>
        tpu.wait_dma2 semaphore(%run_scoped3A : memref<!tpu.dma_semaphore, #tpu.memory_space<semaphore_mem>>) src(%dma_wait3A_299 : memref<6272xi32, #tpu.memory_space<vmem_shared>>) dst(%dma_wait3A_298 : memref<6272xi32, #tpu.memory_space<hbm>>)
        tpu.yield
      }) : () -> ()
    } else {
    }
    tpu.wait_dma2 semaphore(%arg18 : memref<!tpu.dma_semaphore, #tpu.memory_space<semaphore_mem>>) src(%arg2 : memref<1024xi32, #tpu.memory_space<hbm>>) dst(%arg8 : memref<1024xi32, #tpu.memory_space<vmem>>)
    %dma_wait3A_234 = arith.constant 0 : i32
    %dma_wait3A_235 = tpu.memref_slice %arg4[%mul3A_2, %dma_wait3A_234] : memref<64x100000xf32, #tpu.memory_space<hbm>> -> memref<1x100000xf32, #tpu.memory_space<hbm>>
    %dma_wait3A_236 = tpu.memref_squeeze %dma_wait3A_235 : memref<1x100000xf32, #tpu.memory_space<hbm>> -> memref<100000xf32, #tpu.memory_space<hbm>>
    %dma_wait3A_237 = arith.constant 0 : i32
    %dma_wait3A_238 = tpu.memref_slice %arg4[%mul3A_2, %dma_wait3A_237] : memref<64x100000xf32, #tpu.memory_space<hbm>> -> memref<1x100000xf32, #tpu.memory_space<hbm>>
    %dma_wait3A_239 = tpu.memref_squeeze %dma_wait3A_238 : memref<1x100000xf32, #tpu.memory_space<hbm>> -> memref<100000xf32, #tpu.memory_space<hbm>>
    tpu.wait_dma2 semaphore(%arg15 : memref<!tpu.dma_semaphore, #tpu.memory_space<semaphore_mem>>) src(%dma_wait3A_239 : memref<100000xf32, #tpu.memory_space<hbm>>) dst(%arg9 : memref<100000xf32, #tpu.memory_space<vmem>>)
    %scan3A_240 = arith.constant 0 : i32
    %scan3A_241 = arith.constant 0 : i32
    %scan3A_242 = arith.constant 64 : i32
    %scan3A_243 = arith.addi %scan3A_241, %scan3A_242 : i32
    %scan3A_244 = arith.constant 1 : i32
    scf.for %scan3A_296 = %scan3A_241 to %scan3A_243 step %scan3A_244  : i32 {
      %mul3A_297 = arith.constant 16 : i32
      %mul3A_298 = arith.muli %scan3A_296, %mul3A_297 : i32
      %get3A = arith.index_cast %mul3A_298 : i32 to index
      %get3A_299 = tpu.vector_load %arg8[%get3A] {strides = array<i32>} : memref<1024xi32, #tpu.memory_space<vmem>>, vector<16xi32>,
      %gather3A = tpu.vector_load_idx %arg9[%get3A_299] : memref<100000xf32, #tpu.memory_space<vmem>>[vector<16xi32>], vector<16xf32>,
      %mul3A_300 = arith.constant 16 : i32
      %mul3A_301 = arith.muli %scan3A_296, %mul3A_300 : i32
      %swap3A_302 = arith.index_cast %mul3A_301 : i32 to index
      %swap3A_303 = tpu.vector_load %arg10[%swap3A_302] {strides = array<i32>} : memref<1024xf32, #tpu.memory_space<vmem>>, vector<16xf32>,
      tpu.vector_store %arg10[%swap3A_302], %gather3A {strides = array<i32>} : memref<1024xf32, #tpu.memory_space<vmem>>, vector<16xf32>,
    }
    %scan3A_245 = arith.constant 64 : i32
    %add3A_246 = arith.constant 0 : i32
    %add3A_247 = arith.addi %mul3A_2, %add3A_246 : i32
    %dma_start3A_248 = arith.constant 0 : i32
    %dma_start3A_249 = tpu.memref_slice %arg5[%add3A_247, %dma_start3A_248] : memref<64x1024xf32, #tpu.memory_space<hbm>> -> memref<1x1024xf32, #tpu.memory_space<hbm>>
    %dma_start3A_250 = tpu.memref_squeeze %dma_start3A_249 : memref<1x1024xf32, #tpu.memory_space<hbm>> -> memref<1024xf32, #tpu.memory_space<hbm>>
    %dma_start3A_251 = arith.constant 0 : i32
    %dma_start3A_252 = tpu.memref_slice %arg5[%add3A_247, %dma_start3A_251] : memref<64x1024xf32, #tpu.memory_space<hbm>> -> memref<1x1024xf32, #tpu.memory_space<hbm>>
    %dma_start3A_253 = tpu.memref_squeeze %dma_start3A_252 : memref<1x1024xf32, #tpu.memory_space<hbm>> -> memref<1024xf32, #tpu.memory_space<hbm>>
    tpu.enqueue_dma source(%arg10 : memref<1024xf32, #tpu.memory_space<vmem>>) target(%dma_start3A_253 : memref<1024xf32, #tpu.memory_space<hbm>>) target_semaphore(%arg17 : memref<!tpu.dma_semaphore, #tpu.memory_space<semaphore_mem>>)
    %dma_wait3A_254 = arith.constant 0 : i32
    %dma_wait3A_255 = tpu.memref_slice %arg5[%add3A_247, %dma_wait3A_254] : memref<64x1024xf32, #tpu.memory_space<hbm>> -> memref<1x1024xf32, #tpu.memory_space<hbm>>
    %dma_wait3A_256 = tpu.memref_squeeze %dma_wait3A_255 : memref<1x1024xf32, #tpu.memory_space<hbm>> -> memref<1024xf32, #tpu.memory_space<hbm>>
    %dma_wait3A_257 = arith.constant 0 : i32
    %dma_wait3A_258 = tpu.memref_slice %arg5[%add3A_247, %dma_wait3A_257] : memref<64x1024xf32, #tpu.memory_space<hbm>> -> memref<1x1024xf32, #tpu.memory_space<hbm>>
    %dma_wait3A_259 = tpu.memref_squeeze %dma_wait3A_258 : memref<1x1024xf32, #tpu.memory_space<hbm>> -> memref<1024xf32, #tpu.memory_space<hbm>>
    tpu.wait_dma2 semaphore(%arg17 : memref<!tpu.dma_semaphore, #tpu.memory_space<semaphore_mem>>) src(%arg10 : memref<1024xf32, #tpu.memory_space<vmem>>) dst(%dma_wait3A_259 : memref<1024xf32, #tpu.memory_space<hbm>>)
    %add3A_260 = arith.constant 0 : i32
    %add3A_261 = arith.addi %mul3A_2, %add3A_260 : i32
    %add3A_262 = arith.constant 1 : i32
    %add3A_263 = arith.addi %add3A_261, %add3A_262 : i32
    %dma_start3A_264 = arith.constant 0 : i32
    %dma_start3A_265 = tpu.memref_slice %arg4[%add3A_263, %dma_start3A_264] : memref<64x100000xf32, #tpu.memory_space<hbm>> -> memref<1x100000xf32, #tpu.memory_space<hbm>>
    %dma_start3A_266 = tpu.memref_squeeze %dma_start3A_265 : memref<1x100000xf32, #tpu.memory_space<hbm>> -> memref<100000xf32, #tpu.memory_space<hbm>>
    %dma_start3A_267 = arith.constant 0 : i32
    %dma_start3A_268 = tpu.memref_slice %arg4[%add3A_263, %dma_start3A_267] : memref<64x100000xf32, #tpu.memory_space<hbm>> -> memref<1x100000xf32, #tpu.memory_space<hbm>>
    %dma_start3A_269 = tpu.memref_squeeze %dma_start3A_268 : memref<1x100000xf32, #tpu.memory_space<hbm>> -> memref<100000xf32, #tpu.memory_space<hbm>>
    tpu.enqueue_dma source(%dma_start3A_269 : memref<100000xf32, #tpu.memory_space<hbm>>) target(%arg9 : memref<100000xf32, #tpu.memory_space<vmem>>) target_semaphore(%arg15 : memref<!tpu.dma_semaphore, #tpu.memory_space<semaphore_mem>>)
    %dma_wait3A_270 = arith.constant 0 : i32
    %dma_wait3A_271 = tpu.memref_slice %arg4[%add3A_263, %dma_wait3A_270] : memref<64x100000xf32, #tpu.memory_space<hbm>> -> memref<1x100000xf32, #tpu.memory_space<hbm>>
    %dma_wait3A_272 = tpu.memref_squeeze %dma_wait3A_271 : memref<1x100000xf32, #tpu.memory_space<hbm>> -> memref<100000xf32, #tpu.memory_space<hbm>>
    %dma_wait3A_273 = arith.constant 0 : i32
    %dma_wait3A_274 = tpu.memref_slice %arg4[%add3A_263, %dma_wait3A_273] : memref<64x100000xf32, #tpu.memory_space<hbm>> -> memref<1x100000xf32, #tpu.memory_space<hbm>>
    %dma_wait3A_275 = tpu.memref_squeeze %dma_wait3A_274 : memref<1x100000xf32, #tpu.memory_space<hbm>> -> memref<100000xf32, #tpu.memory_space<hbm>>
    tpu.wait_dma2 semaphore(%arg15 : memref<!tpu.dma_semaphore, #tpu.memory_space<semaphore_mem>>) src(%dma_wait3A_275 : memref<100000xf32, #tpu.memory_space<hbm>>) dst(%arg9 : memref<100000xf32, #tpu.memory_space<vmem>>)
    %scan3A_276 = arith.constant 0 : i32
    %scan3A_277 = arith.constant 0 : i32
    %scan3A_278 = arith.constant 64 : i32
    %scan3A_279 = arith.addi %scan3A_277, %scan3A_278 : i32
    %scan3A_280 = arith.constant 1 : i32
    scf.for %scan3A_296 = %scan3A_277 to %scan3A_279 step %scan3A_280  : i32 {
      %mul3A_297 = arith.constant 16 : i32
      %mul3A_298 = arith.muli %scan3A_296, %mul3A_297 : i32
      %get3A = arith.index_cast %mul3A_298 : i32 to index
      %get3A_299 = tpu.vector_load %arg8[%get3A] {strides = array<i32>} : memref<1024xi32, #tpu.memory_space<vmem>>, vector<16xi32>,
      %gather3A = tpu.vector_load_idx %arg9[%get3A_299] : memref<100000xf32, #tpu.memory_space<vmem>>[vector<16xi32>], vector<16xf32>,
      %mul3A_300 = arith.constant 16 : i32
      %mul3A_301 = arith.muli %scan3A_296, %mul3A_300 : i32
      %swap3A_302 = arith.index_cast %mul3A_301 : i32 to index
      %swap3A_303 = tpu.vector_load %arg10[%swap3A_302] {strides = array<i32>} : memref<1024xf32, #tpu.memory_space<vmem>>, vector<16xf32>,
      tpu.vector_store %arg10[%swap3A_302], %gather3A {strides = array<i32>} : memref<1024xf32, #tpu.memory_space<vmem>>, vector<16xf32>,
    }
    %scan3A_281 = arith.constant 64 : i32
    %add3A_282 = arith.constant 1 : i32
    %add3A_283 = arith.addi %mul3A_2, %add3A_282 : i32
    %dma_start3A_284 = arith.constant 0 : i32
    %dma_start3A_285 = tpu.memref_slice %arg5[%add3A_283, %dma_start3A_284] : memref<64x1024xf32, #tpu.memory_space<hbm>> -> memref<1x1024xf32, #tpu.memory_space<hbm>>
    %dma_start3A_286 = tpu.memref_squeeze %dma_start3A_285 : memref<1x1024xf32, #tpu.memory_space<hbm>> -> memref<1024xf32, #tpu.memory_space<hbm>>
    %dma_start3A_287 = arith.constant 0 : i32
    %dma_start3A_288 = tpu.memref_slice %arg5[%add3A_283, %dma_start3A_287] : memref<64x1024xf32, #tpu.memory_space<hbm>> -> memref<1x1024xf32, #tpu.memory_space<hbm>>
    %dma_start3A_289 = tpu.memref_squeeze %dma_start3A_288 : memref<1x1024xf32, #tpu.memory_space<hbm>> -> memref<1024xf32, #tpu.memory_space<hbm>>
    tpu.enqueue_dma source(%arg10 : memref<1024xf32, #tpu.memory_space<vmem>>) target(%dma_start3A_289 : memref<1024xf32, #tpu.memory_space<hbm>>) target_semaphore(%arg17 : memref<!tpu.dma_semaphore, #tpu.memory_space<semaphore_mem>>)
    %dma_wait3A_290 = arith.constant 0 : i32
    %dma_wait3A_291 = tpu.memref_slice %arg5[%add3A_283, %dma_wait3A_290] : memref<64x1024xf32, #tpu.memory_space<hbm>> -> memref<1x1024xf32, #tpu.memory_space<hbm>>
    %dma_wait3A_292 = tpu.memref_squeeze %dma_wait3A_291 : memref<1x1024xf32, #tpu.memory_space<hbm>> -> memref<1024xf32, #tpu.memory_space<hbm>>
    %dma_wait3A_293 = arith.constant 0 : i32
    %dma_wait3A_294 = tpu.memref_slice %arg5[%add3A_283, %dma_wait3A_293] : memref<64x1024xf32, #tpu.memory_space<hbm>> -> memref<1x1024xf32, #tpu.memory_space<hbm>>
    %dma_wait3A_295 = tpu.memref_squeeze %dma_wait3A_294 : memref<1x1024xf32, #tpu.memory_space<hbm>> -> memref<1024xf32, #tpu.memory_space<hbm>>
    tpu.wait_dma2 semaphore(%arg17 : memref<!tpu.dma_semaphore, #tpu.memory_space<semaphore_mem>>) src(%arg10 : memref<1024xf32, #tpu.memory_space<vmem>>) dst(%dma_wait3A_295 : memref<1024xf32, #tpu.memory_space<hbm>>)
    return
  }
}

</mosaic_0001>

<sc_bundles>
// kernel: kernel.3.cloned.1.call-start
scs
__scs_entry_jumppad:
0x0: {  	(pc) =	sbr.rel $0x88, $3  }
0x1: {  	(tag) =	ssettag $0x0;
	lr =	simm.s32 $0x1  }
0x2: {  	[smem:$0x3F9E] =	sst lr;
	_ =	strace $0xD0000000  }
0x3: {  	_ = 	snop  }
0x4: {  	_ = 	snop  }
0x5: {  	_ = 	snop  }
0x6: {  	_ = 	snop  }
0x7: {  	_ = 	snop  }
__scs_overlays_trampoline_lowered:
0x8: {  	[smem:$0x3FAD] =	sst s0  }
0x9: {  	[smem:$0x3FAE] =	sst s1  }
0xa: {  	[smem:$0x3FAF] =	sst s2  }
0xb: {  	[smem:$0x3FB0] =	sst s3  }
0xc: {  	[smem:$0x3FB1] =	sst s4  }
0xd: {  	[smem:$0x3FB2] =	sst s5  }
0xe: {  	[smem:$0x3FB3] =	sst s6  }
0xf: {  	[smem:$0x3FB4] =	sst s7  }
0x10: {  	[smem:$0x3FB5] =	sst s8  }
0x11: {  	[smem:$0x3FB6] =	sst s9;
	s0 =	simm.s32 @!p0 $0x0  }
0x12: {  	s1 =	sld [smem:$0x3F9C];
	s0 =	simm.s32 @p0 $0x1  }
0x13: {  	[smem:$0x3FB7] =	sst s0;
	s0 =	simm.s32 @!p1 $0x0  }
0x14: {  	s2 =	sld [smem:$0x3F9B];
	s0 =	simm.s32 @p1 $0x1  }
0x15: {  	[smem:$0x3FB8] =	sst s0;
	s0 =	simm.s32 @!p2 $0x0  }
0x16: {  	s3 =	sld [smem:$0x3FDB];
	s0 =	simm.s32 @p2 $0x1  }
0x17: {  	s4 =	simm.s32 $0x1BF5;
	[smem:$0x3FBA] =	sst s0  }
0x18: {  	s0 =	sld [smem:$0x3F9D];
	_ =	swait.ge [sflag:s4], $0x0  }
0x19: {  	s7 =	sld [smem:$0x3F9E]  }
0x1a: {  	s8 =	sadd.s32 $0xFFFFE003, lr  }
0x1b: {  	s9 =	sadd.s32 $0xFFFFFEF7, lr;
	s5 =	simm.s32 $0xFFFFFFFF;
	p2 =	slt.u32 s8, $0xFFFFF086  }
0x1c: {  	p1 =	slt.u32 s9, $0xF7A;
	s5 =	simm.s32 @!p2 $0x0  }
0x1d: {  	s5 =	simm.s32 @p1 $0x1;
	p0 =	seq.s32 s7, s2  }
0x1e: {  	s7 =	smul.u32 @!p0 $0xF7A, s2;
	p2 =	seq.s32 @!p0 s5, $0x0  }
0x1f: {  	s9 =	smul.u32 $0xF7A, s1;
	s8 =	simm.s32 @!p0 $0x1BF5;
	p2 =	por !p2, p0  }
0x20: {  	[sflag:s8] =	ssyncset.s32 @!p0 $0xFFFFF086;
	s6 =	sadd.s32 @!p0 s3, s7;
	s7 =	simm.s32 @!p0 $0x108  }
0x21: {  	s3 =	sadd.s32 s3, s9;
	s6 =	sadd.s32 @!p0 $0x88, s6;
	s7 =	simm.s32 @p2 $0x1082  }
0x22: {  	[simem:s7], [sflag:s8] =	dma.local @!p0 [hbm:s6], $0xF7A  }
0x23: {  	s9 =	sor.u32 $0xD0000000, s2;
	s6 =	simm.s32 $0x108;
	_ =	swait.ge @!p0 [sflag:s8], $0x0  }
0x24: {  	s3 =	sadd.s32 $0x88, s3;
	s6 =	simm.s32 @!p1 $0x1082;
	[sflag:s4] =	ssyncset.s32 $0xFFFFF086  }
0x25: {  	[simem:s6], [sflag:s4] =	dma.local [hbm:s3], $0xF7A  }
0x26: {  	[smem:$0x3F9E] =	sst s1;
	(tag) =	ssettag s2;
	_ =	strace s9  }
0x27: {  	s1 =	sld [smem:$0x3FAE]  }
0x28: {  	s2 =	sld [smem:$0x3FAF]  }
0x29: {  	s4 =	sld [smem:$0x3FB1]  }
0x2a: {  	p0 =	seq.s32 s5, $0x0;
	s5 =	sld [smem:$0x3FB2]  }
0x2b: {  	s6 =	sld [smem:$0x3FB3]  }
0x2c: {  	s7 =	sld [smem:$0x3FB4]  }
0x2d: {  	s3 =	simm.s32 $0x108;
	s8 =	sld [smem:$0x3FB5]  }
0x2e: {  	s3 =	simm.s32 @!p0 $0x1082;
	s9 =	sld [smem:$0x3FB6]  }
0x2f: {  	lr =	sadd.s32 s0, s3;
	s0 =	sld [smem:$0x3FAD]  }
0x30: {  	s3 =	sld [smem:$0x3FB0]  }
0x31: {  	[smem:$0x3FB9] =	sst s10  }
0x32: {  	s10 =	sld [smem:$0x3FB7];
	_ =	sdelay $0x3  }
0x33: {  	p0 =	seq.s32 s10, $0x1;
	s10 =	sld [smem:$0x3FB9];
	_ =	sdelay $0x3  }
0x34: {  	[smem:$0x3FB9] =	sst s10  }
0x35: {  	s10 =	sld [smem:$0x3FB8];
	_ =	sdelay $0x3  }
0x36: {  	p1 =	seq.s32 s10, $0x1;
	s10 =	sld [smem:$0x3FB9];
	_ =	sdelay $0x3  }
0x37: {  	[smem:$0x3FB9] =	sst s10  }
0x38: {  	s10 =	sld [smem:$0x3FBA]  }
0x39: {  	_ = 	snop;
	(pc) =	sbr.ind lr, $3  }
0x3a: {  	_ = 	snop  }
0x3b: {  	_ = 	snop  }
0x3c: {  	p2 =	seq.s32 s10, $0x1;
	s10 =	sld [smem:$0x3FB9]  }
0x3d: {  	_ =	shalt  }
0x3e: {  	_ =	shalt  }
0x3f: {  	_ =	shalt  }
0x40: {  	_ =	shalt  }
0x41: {  	_ =	shalt  }
0x42: {  	_ =	shalt  }
0x43: {  	_ =	shalt  }
0x44: {  	_ =	shalt  }
0x45: {  	_ =	shalt  }
0x46: {  	_ =	shalt  }
0x47: {  	_ =	shalt  }
0x48: {  	_ =	shalt  }
0x49: {  	_ =	shalt  }
0x4a: {  	_ =	shalt  }
0x4b: {  	_ =	shalt  }
0x4c: {  	_ =	shalt  }
0x4d: {  	_ =	shalt  }
0x4e: {  	_ =	shalt  }
0x4f: {  	_ =	shalt  }
0x50: {  	_ =	shalt  }
0x51: {  	_ =	shalt  }
0x52: {  	_ =	shalt  }
0x53: {  	_ =	shalt  }
0x54: {  	_ =	shalt  }
0x55: {  	_ =	shalt  }
0x56: {  	_ =	shalt  }
0x57: {  	_ =	shalt  }
0x58: {  	_ =	shalt  }
0x59: {  	_ =	shalt  }
0x5a: {  	_ =	shalt  }
0x5b: {  	_ =	shalt  }
0x5c: {  	_ =	shalt  }
0x5d: {  	_ =	shalt  }
0x5e: {  	_ =	shalt  }
0x5f: {  	_ =	shalt  }
0x60: {  	_ =	shalt  }
0x61: {  	_ =	shalt  }
0x62: {  	_ =	shalt  }
0x63: {  	_ =	shalt  }
0x64: {  	_ =	shalt  }
0x65: {  	_ =	shalt  }
0x66: {  	_ =	shalt  }
0x67: {  	_ =	shalt  }
0x68: {  	_ =	shalt  }
0x69: {  	_ =	shalt  }
0x6a: {  	_ =	shalt  }
0x6b: {  	_ =	shalt  }
0x6c: {  	_ =	shalt  }
0x6d: {  	_ =	shalt  }
0x6e: {  	_ =	shalt  }
0x6f: {  	_ =	shalt  }
0x70: {  	_ =	shalt  }
0x71: {  	_ =	shalt  }
0x72: {  	_ =	shalt  }
0x73: {  	_ =	shalt  }
0x74: {  	_ =	shalt  }
0x75: {  	_ =	shalt  }
0x76: {  	_ =	shalt  }
0x77: {  	_ =	shalt  }
0x78: {  	_ =	shalt  }
0x79: {  	_ =	shalt  }
0x7a: {  	_ =	shalt  }
0x7b: {  	_ =	shalt  }
0x7c: {  	_ =	shalt  }
0x7d: {  	_ =	shalt  }
0x7e: {  	_ =	shalt  }
0x7f: {  	_ =	shalt  }
0x80: {  	_ =	shalt  }
0x81: {  	_ =	shalt  }
0x82: {  	_ =	shalt  }
0x83: {  	_ =	shalt  }
0x84: {  	_ =	shalt  }
0x85: {  	_ =	shalt  }
0x86: {  	_ =	shalt  }
0x87: {  	_ =	shalt  }
.Lfunc_end0:
.L_simem_size_0:
called_computation_lowered:
.L_overlay_start_0:
0x88: {  	s2 =	sld [smem:$0x3FD9]  }
0x89: {  	s3 =	sld [smem:$0x3FFE];
	_ =	sdelay $0x1  }
0x8a: {  	s1 =	srdreg.scid  }
0x8b: {  	s0 =	sand.u32 $0x1, s1  }
0x8c: {  	s14 =	sshll.u32 s0, $0xA;
	s2 =	sadd.s32 s3, s2  }
0x8d: {  	s2 =	sadd.s32 s2, s14  }
0x8e: {  	[smem:$0x3FC5] =	sst s2  }
0x8f: {  	_ = 	snop  }
0x90: {  	s2 =	sld [smem:$0x3FD0];
	_ =	sdelay $0x1  }
0x91: {  	s15 =	sld [smem:$0x3FC9]  }
0x92: {  	s5 =	simm.s32 $0xA;
	s6 =	simm.s32 $0x10;
	s4 =	sld [smem:$0x3FC7]  }
0x93: {  	[smem:s6], [sflag:s5] =	dma.local [hbm:s2], $0x1  }
0x94: {  	_ =	swait.eq [sflag:s5], $0x1  }
0x95: {  	[sflag:s5] =	ssyncset.done $0x0  }
0x96: {  	[sflag:s5] =	ssyncadd.s32 $0xFFFFFFFF  }
0x97: {  	s16 =	sld [smem:$0x10];
	(tm) =	ssettm $0x1  }
0x98: {  	s17 =	sld [smem:$0x3FFB];
	_ =	sdelay $0x3  }
0x99: {  	_ =	strace s17  }
0x9a: {  	s5 =	sld [smem:$0x3FFC];
	_ =	sdelay $0x3  }
0x9b: {  	_ =	strace s5  }
0x9c: {  	s5 =	sld [smem:$0x3FFD];
	_ =	sdelay $0x3  }
0x9d: {  	_ =	strace s5  }
0x9e: {  	_ =	strace $0x8FFFFFFF  }
0x9f: {  	s18 =	sld [smem:$0x3FDB];
	_ =	sdelay $0x1  }
0xa0: {  	s19 =	simm.s32 $_scs_section_size  }
0xa1: {  	s7 =	simm.s32 $_size__tile_overlayer_lowered;
	s8 =	simm.s32 $_tile_overlayer_lowered  }
0xa2: {  	s22 =	simm.s32 $0x1BFF;
	s21 =	sshll.u32 s8, $0x1;
	s5 =	sadd.s32 s19, s18  }
0xa3: {  	s9 =	simm.s32 $0x0;
	s20 =	sshll.u32 s7, $0x1;
	s7 =	sadd.s32 s21, s5  }
0xa4: {  	[timem:s9], [sflag:s22] =	dma.local [hbm:s7], s20  }
0xa5: {  	_ =	swait.ge [sflag:s22], s20  }
0xa6: {  	s6 =	ssub.s32 $0x0, s20;
	[sflag:s22] =	ssyncset.done $0x0  }
0xa7: {  	[sflag:s22] =	ssyncadd.s32 s6;
	_ =	sdelay $0x1  }
0xa8: {  	s23 =	simm.s32 $0x1B8B  }
0xa9: {  	_ =	swait.ge [sflag:s23], $0x1  }
0xaa: {  	[sflag:s23] =	ssyncset.done $0x0  }
0xab: {  	s25 =	simm.s32 $0x1B8E;
	s24 =	sld [smem:$0x3FFE];
	[sflag:s23] =	ssyncadd.s32 $0xFFFFFFFF  }
0xac: {  	s26 =	simm.s32 $execute0_lowered;
	[smem:$0x3FD2] =	sst s25  }
0xad: {  	s7 =	sshll.u32 s26, $0x1;
	_ =	strace $0x80000046;
	[dreg:$0x1] =	wrdreg $0xFFFFFFFF  }
0xae: {  	s28 =	simm.s32 $_size_execute0_lowered;
	s5 =	sadd.s32 s5, s7;
	[dreg:$0x0] =	wrdreg $0x0  }
0xaf: {  	s7 =	sshll.u32 s28, $0x1;
	[dreg:$0x2] =	wrdreg s5  }
0xb0: {  	[dreg:$0x3] =	wrdreg s7  }
0xb1: {  	[dreg:$0x4] =	wrdreg $0xC0  }
0xb2: {  	_ =	task [dreg:s9], $0x5FFFF  }
0xb3: {  	[dreg:$0x1] =	wrdreg $0xFFFFFFFF  }
0xb4: {  	[dreg:$0x0] =	wrdreg $0x60  }
0xb5: {  	[dreg:$0x2] =	wrdreg s15  }
0xb6: {  	[dreg:$0x3] =	wrdreg s24  }
0xb7: {  	[dreg:$0x4] =	wrdreg s4  }
0xb8: {  	[dreg:$0x5] =	wrdreg s16  }
0xb9: {  	[dreg:$0x6] =	wrdreg $0x1B0000  }
0xba: {  	[dreg:$0x7] =	wrdreg $0x9  }
0xbb: {  	_ =	task.clear_ibuf [dreg:s9], $0x8FFFF;
	_ =	strace $0x90000046  }
0xbc: {  	s29 =	simm.s32 $0x9;
	_ =	strace $0x80000048  }
0xbd: {  	_ =	swait.ge [sflag:s29], $0x1  }
0xbe: {  	[sflag:s29] =	ssyncadd.s32 $0xFFFFFFFF  }
0xbf: {  	_ =	strace $0x90000048  }
0xc0: {  	_ =	sfence  }
0xc1: {  	s30 =	sld [smem:$0x0];
	_ =	sdelay $0x2  }
0xc2: {  	s31 =	sshll.u32 s1, $0xD;
	s1 =	sshrl.u32 s1, $0x2  }
0xc3: {  	s3 =	sand.u32 $0x4000, s31;
	s1 =	sadd.s32 s1, s30  }
0xc4: {  	s0 =	sor.u32 s3, s0;
	s1 =	sshll.u32 s1, $0x11  }
0xc5: {  	s0 =	sor.u32 s1, s0  }
0xc6: {  	s0 =	sadd.s32 $0x8F2B, s0  }
0xc7: {  	[sflag:s0] =	ssyncadd.remote.s32 $0x1  }
0xc8: {  	_ =	sfence.sel $0xFFFF  }
0xc9: {  	[dreg:$0x0] =	wrdreg $0xFFFFFFFF;
	(pc) =	sbr.abs _section_cstart, $3  }
0xca: {  	[dreg:$0x1] =	wrdreg $0xFFFFFFFF  }
0xcb: {  	_ =	task.clear_ibuf [dreg:s9], $0x2FFFF;
	_ =	strace $0x9FFFFFFF  }
0xcc: {  	(tm) =	ssettm $0x7FFFFFFF  }
0xcd: {  	_ =	shalt  }
tec
execute0_lowered:
.L_overlay_start_1:
0x0: {  	(tag) =	ssettag $0x1  }
0x1: {  	s0 =	rddreg [dreg:$0x1]  }
0x2: {  	s1 =	rddreg [dreg:$0x2]  }
0x3: {  	s2 =	rddreg [dreg:$0x3]  }
0x4: {  	s3 =	rddreg [dreg:$0x4];
	s4 =	srdreg.scid;
	s8 =	simm.s32 $0x0  }
0x5: {  	s13 =	stileid.u32;
	s14 =	simm.s32 $0x5A00;
	s15 =	simm.s32 $0x18F00  }
0x6: {  	s16 =	simm.s32 $0x5;
	s28 =	simm.s32 $0x19380;
	s29 =	simm.s32 $0x19400  }
0x7: {  	s30 =	simm.s32 $0x19480;
	s31 =	simm.s32 $0x19500;
	s4 =	sand.u32 $0x1, s4  }
0x8: {  	s5 =	sshll.u32 s13, $0x9;
	s7 =	sshrl.u32 s13, $0x1;
	s21 =	smul.u32 $0x1880, s13  }
0x9: {  	[smem:$0x7FF] =	sst s8;
	s6 =	sshll.u32 s4, $0x8;
	s9 =	smul.u32 $0xC3800, s7  }
0xa: {  	_ =	strace $0x80000047;
	s17 =	ssub.s32 $0x2, s4;
	s22 =	sshll.u32 s7, $0xD  }
0xb: {  	p0 =	seq.s32 s4, $0x1;
	s5 =	sor.u32 s6, s5;
	s19 =	sshrl.u32 s17, $0x1  }
0xc: {  	s7 =	sadd.s32 s21, s3;
	s13 =	sshrl.u32 s21, $0x3;
	s14 =	simm.s32 @!p0 $0x2800  }
0xd: {  	s21 =	simm.s32 $0x3;
	s18 =	sand.u32 $0x300, s5;
	s10 =	sadd.s32 s5, s0  }
0xe: {  	s12 =	ssub.s32 s17, s19;
	s0 =	sadd.s32 s14, s0;
	s14 =	simm.s32 $0x400  }
0xf: {  	s17 =	simm.s32 $0x4;
	s19 =	simm.s32 $0x1;
	s11 =	sor.u32 s9, s18  }
0x10: {  	s6 =	sadd.s32 $0x800, s10;
	s23 =	sor.u32 s22, s18;
	s24 =	sor.u32 $0x80, s18  }
0x11: {  	s18 =	simm.s32 $0x19700;
	s20 =	sshrl.u32 s11, $0x3;
	s4 =	sshrl.u32 s23, $0x3  }
0x12: {  	s25 =	sor.u32 s9, s24;
	s10 =	sor.u32 s22, s24;
	s11 =	smax.u32 s12, $0x1  }
0x13: {  	s12 =	sadd.s32 s0, s13;
	s13 =	simm.s32 $0x80;
	s0 =	simm.s32 $0x19580  }
0x14: {  	s22 =	simm.s32 $0x0;
	s5 =	sadd.s32 s1, s20;
	s8 =	sadd.s32 s2, s4  }
0x15: {  	s4 =	sshrl.u32 s25, $0x3;
	s26 =	sshrl.u32 s10, $0x3;
	s20 =	simm.s32 $0x18B00  }
0x16: {  	s9 =	sadd.s32 s1, s4;
	s10 =	sadd.s32 s2, s26;
	s26 =	simm.s32 $0x19300  }
0x17: {  	v0 =	vimm.s32 $0x1;
	v1 =	vimm.s32 $0x0;
	s1 =	simm.s32 $0x19600;
	s4 =	simm.s32 $0x19680;
	s2 =	simm.s32 $0x2  }
.LBB2_1:
0x18: {  	s23 =	rddreg [dreg:$0x0];
	s24 =	simm.s32 $0x0  }
0x19: {  	[tilespmem:s24], [sflag:$0x4] =	stream.linear.gather [hbm4b:s23+s24], $0x400, $0x38;
	[tilespmem:$0x1C880] =	vst v63  }
0x1a: {  	_ = 	snop  }
0x1b: {  	[tilespmem:s14], [sflag:$0x1] =	stream.strided.gather [hbm4b:s5+s13], $0x18700, s14, s13, $0x38;
	[tilespmem:$0x1C880] =	vst v63  }
0x1c: {  	[tilespmem:$0x19700] =	vst v0  }
0x1d: {  	[tilespmem:$0x19710] =	vst v0  }
0x1e: {  	[tilespmem:$0x19720] =	vst v0  }
0x1f: {  	[tilespmem:$0x19730] =	vst v0  }
0x20: {  	[tilespmem:$0x19740] =	vst v0  }
0x21: {  	[tilespmem:$0x19750] =	vst v0  }
0x22: {  	[tilespmem:$0x19760] =	vst v0  }
0x23: {  	s23 =	simm.s32 $0x40;
	s24 =	simm.s32 $0x0;
	[tilespmem:$0x19770] =	vst v0  }
.LBB2_2:
0x24: {  	p0 =	sne.s32 s23, $0x61C0;
	[tilespmem:s24+$0x19780] =	vst v1;
	s24 =	smov.u32 s23;
	s23 =	sadd.s32 $0x40, s23  }
.Ltmp0:
0x25: {  	(pc) =	sbr.rel @p0 .LBB2_2-.Ltmp0, $2  }
0x26: {  	_ =	sdelay $0x2  }
0x27: {  	s24 =	sshra.s32 s24, $0x2  }
0x28: {  	[tilespmem:s24+$0x19780] =	vst v1;
	s23 =	simm.s32 $0x0  }
0x29: {  	[tilespmem:s15], [sflag:$0x5] =	stream.linear.gather [hbm4b:s6+s23], $0x800, $0x38;
	[tilespmem:$0x1C880] =	vst v63  }
0x2a: {  	_ =	swait.ge [sflag:s16], $0x800  }
0x2b: {  	[sflag:s16] =	ssyncset.done $0x0  }
0x2c: {  	s24 =	simm.s32 $0x19780;
	[sflag:s16] =	ssyncadd.s32 $0xFFFFF800  }
0x2d: {  	[spmem:s7] =	stream.linear.scatter [tilespmem:s24], [sflag:$0x5], $0x1880, $0x38;
	[tilespmem:$0x1C880] =	vst v63  }
0x2e: {  	_ =	swait.ge [sflag:s16], $0x1880  }
0x2f: {  	[sflag:s16] =	ssyncset.done $0x0  }
0x30: {  	[sflag:s16] =	ssyncadd.s32 $0xFFFFE780  }
0x31: {  	[bflag:$0x0] =	sbarrier.arrive $0xFFFF  }
0x32: {  	[spmem:s3] =	stream.indirect.scatter [tilespmem:s18], [sflag:$0x2], $0x1, s15, s13, $0xb8;
	[tilespmem:$0x1C880] =	vst v63  }
0x33: {  	s25 =	simm.s32 $0x18F80  }
0x34: {  	[spmem:s3] =	stream.indirect.scatter [tilespmem:s18], [sflag:$0x2], $0x1, s25, s13, $0xb8;
	[tilespmem:$0x1C880] =	vst v63  }
0x35: {  	s24 =	simm.s32 $0x19000  }
0x36: {  	[spmem:s3] =	stream.indirect.scatter [tilespmem:s18], [sflag:$0x2], $0x1, s24, s13, $0xb8;
	[tilespmem:$0x1C880] =	vst v63  }
0x37: {  	s25 =	simm.s32 $0x19080  }
0x38: {  	[spmem:s3] =	stream.indirect.scatter [tilespmem:s18], [sflag:$0x2], $0x1, s25, s13, $0xb8;
	[tilespmem:$0x1C880] =	vst v63  }
0x39: {  	s24 =	simm.s32 $0x19100  }
0x3a: {  	[spmem:s3] =	stream.indirect.scatter [tilespmem:s18], [sflag:$0x2], $0x1, s24, s13, $0xb8;
	[tilespmem:$0x1C880] =	vst v63  }
0x3b: {  	s25 =	simm.s32 $0x19180  }
0x3c: {  	[spmem:s3] =	stream.indirect.scatter [tilespmem:s18], [sflag:$0x2], $0x1, s25, s13, $0xb8;
	[tilespmem:$0x1C880] =	vst v63  }
0x3d: {  	s24 =	simm.s32 $0x19200  }
0x3e: {  	[spmem:s3] =	stream.indirect.scatter [tilespmem:s18], [sflag:$0x2], $0x1, s24, s13, $0xb8;
	[tilespmem:$0x1C880] =	vst v63  }
0x3f: {  	s25 =	simm.s32 $0x19280  }
0x40: {  	[spmem:s3] =	stream.indirect.scatter [tilespmem:s18], [sflag:$0x2], $0x1, s25, s13, $0xb8;
	[tilespmem:$0x1C880] =	vst v63  }
0x41: {  	_ = 	snop  }
0x42: {  	[spmem:s3] =	stream.indirect.scatter [tilespmem:s18], [sflag:$0x2], $0x1, s26, s13, $0xb8;
	[tilespmem:$0x1C880] =	vst v63  }
0x43: {  	_ = 	snop  }
0x44: {  	[spmem:s3] =	stream.indirect.scatter [tilespmem:s18], [sflag:$0x2], $0x1, s28, s13, $0xb8;
	[tilespmem:$0x1C880] =	vst v63  }
0x45: {  	_ = 	snop  }
0x46: {  	[spmem:s3] =	stream.indirect.scatter [tilespmem:s18], [sflag:$0x2], $0x1, s29, s13, $0xb8;
	[tilespmem:$0x1C880] =	vst v63  }
0x47: {  	_ = 	snop  }
0x48: {  	[spmem:s3] =	stream.indirect.scatter [tilespmem:s18], [sflag:$0x2], $0x1, s30, s13, $0xb8;
	[tilespmem:$0x1C880] =	vst v63  }
0x49: {  	_ = 	snop  }
0x4a: {  	[spmem:s3] =	stream.indirect.scatter [tilespmem:s18], [sflag:$0x2], $0x1, s31, s13, $0xb8;
	[tilespmem:$0x1C880] =	vst v63  }
0x4b: {  	_ = 	snop  }
0x4c: {  	[spmem:s3] =	stream.indirect.scatter [tilespmem:s18], [sflag:$0x2], $0x1, s0, s13, $0xb8;
	[tilespmem:$0x1C880] =	vst v63  }
0x4d: {  	_ = 	snop  }
0x4e: {  	[spmem:s3] =	stream.indirect.scatter [tilespmem:s18], [sflag:$0x2], $0x1, s1, s13, $0xb8;
	[tilespmem:$0x1C880] =	vst v63  }
0x4f: {  	_ = 	snop  }
0x50: {  	[spmem:s3] =	stream.indirect.scatter [tilespmem:s18], [sflag:$0x2], $0x1, s4, s13, $0xb8;
	[tilespmem:$0x1C880] =	vst v63  }
0x51: {  	_ =	swait.ge [sflag:s2], $0x80  }
0x52: {  	[sflag:s2] =	ssyncset.done $0x0  }
0x53: {  	[sflag:s2] =	ssyncadd.s32 $0xFFFFFF80  }
0x54: {  	_ =	swait.ge [sflag:s2], $0x80  }
0x55: {  	[sflag:s2] =	ssyncset.done $0x0  }
0x56: {  	[sflag:s2] =	ssyncadd.s32 $0xFFFFFF80  }
0x57: {  	_ =	swait.ge [sflag:s2], $0x80  }
0x58: {  	[sflag:s2] =	ssyncset.done $0x0  }
0x59: {  	[sflag:s2] =	ssyncadd.s32 $0xFFFFFF80  }
0x5a: {  	_ =	swait.ge [sflag:s2], $0x80  }
0x5b: {  	[sflag:s2] =	ssyncset.done $0x0  }
0x5c: {  	[sflag:s2] =	ssyncadd.s32 $0xFFFFFF80  }
0x5d: {  	_ =	swait.ge [sflag:s2], $0x80  }
0x5e: {  	[sflag:s2] =	ssyncset.done $0x0  }
0x5f: {  	[sflag:s2] =	ssyncadd.s32 $0xFFFFFF80  }
0x60: {  	_ =	swait.ge [sflag:s2], $0x80  }
0x61: {  	[sflag:s2] =	ssyncset.done $0x0  }
0x62: {  	[sflag:s2] =	ssyncadd.s32 $0xFFFFFF80  }
0x63: {  	_ =	swait.ge [sflag:s2], $0x80  }
0x64: {  	[sflag:s2] =	ssyncset.done $0x0  }
0x65: {  	[sflag:s2] =	ssyncadd.s32 $0xFFFFFF80  }
0x66: {  	_ =	swait.ge [sflag:s2], $0x80  }
0x67: {  	[sflag:s2] =	ssyncset.done $0x0  }
0x68: {  	[sflag:s2] =	ssyncadd.s32 $0xFFFFFF80  }
0x69: {  	_ =	swait.ge [sflag:s2], $0x80  }
0x6a: {  	[sflag:s2] =	ssyncset.done $0x0  }
0x6b: {  	[sflag:s2] =	ssyncadd.s32 $0xFFFFFF80  }
0x6c: {  	_ =	swait.ge [sflag:s2], $0x80  }
0x6d: {  	[sflag:s2] =	ssyncset.done $0x0  }
0x6e: {  	[sflag:s2] =	ssyncadd.s32 $0xFFFFFF80  }
0x6f: {  	_ =	swait.ge [sflag:s2], $0x80  }
0x70: {  	[sflag:s2] =	ssyncset.done $0x0  }
0x71: {  	[sflag:s2] =	ssyncadd.s32 $0xFFFFFF80  }
0x72: {  	_ =	swait.ge [sflag:s2], $0x80  }
0x73: {  	[sflag:s2] =	ssyncset.done $0x0  }
0x74: {  	[sflag:s2] =	ssyncadd.s32 $0xFFFFFF80  }
0x75: {  	_ =	swait.ge [sflag:s2], $0x80  }
0x76: {  	[sflag:s2] =	ssyncset.done $0x0  }
0x77: {  	[sflag:s2] =	ssyncadd.s32 $0xFFFFFF80  }
0x78: {  	_ =	swait.ge [sflag:s2], $0x80  }
0x79: {  	[sflag:s2] =	ssyncset.done $0x0  }
0x7a: {  	[sflag:s2] =	ssyncadd.s32 $0xFFFFFF80  }
0x7b: {  	_ =	swait.ge [sflag:s2], $0x80  }
0x7c: {  	[sflag:s2] =	ssyncset.done $0x0  }
0x7d: {  	[sflag:s2] =	ssyncadd.s32 $0xFFFFFF80  }
0x7e: {  	_ =	swait.ge [sflag:s2], $0x80  }
0x7f: {  	s24 =	stileid.u32;
	[sflag:s2] =	ssyncset.done $0x0  }
0x80: {  	s23 =	sshll.u32 s24, $0x6;
	[sflag:s2] =	ssyncadd.s32 $0xFFFFFF80  }
0x81: {  	s23 =	sor.u32 $0x1C05, s23;
	s25 =	sshrl.u32 s7, $0x3;
	[bflag:$0x0] =	sbarrier.arrive $0xFFFF  }
0x82: {  	[hbm:s12], [sflag:s23] =	dma.local [spmem:s25], $0x310  }
0x83: {  	_ =	swait.ge [sflag:s16], $0x310  }
0x84: {  	[sflag:s16] =	ssyncset.done $0x0  }
0x85: {  	[sflag:s16] =	ssyncadd.s32 $0xFFFFFCF0  }
0x86: {  	_ =	swait.ge [sflag:s17], $0x400  }
0x87: {  	[sflag:s17] =	ssyncset.done $0x0  }
0x88: {  	[sflag:s17] =	ssyncadd.s32 $0xFFFFFC00  }
0x89: {  	_ =	swait.ge [sflag:s19], $0x18700  }
0x8a: {  	[sflag:s19] =	ssyncset.done $0x0  }
0x8b: {  	s23 =	simm.s32 $0x0;
	[sflag:s19] =	ssyncadd.s32 $0xFFFE7900  }
0x8c: {  	v2 =	vld [tilespmem:s23+$0x0];
	_ =	sdelay $0x7  }
0x8d: {  	s24 =	simm.s32 $0x10;
	s25 =	simm.s32 $0x80;
	v2 =	vld.idx.msk [tilespmem:v2+s14+$0x0], $0xffff  }
.LBB2_4:
0x8e: {  	p0 =	sne.s32 s25, $0xFC0;
	v3 =	vld [tilespmem:s24+$0x0];
	_ =	sdelay $0x3  }
.Ltmp1:
0x8f: {  	(pc) =	sbr.rel @p0 .LBB2_4-.Ltmp1, $2  }
0x90: {  	[tilespmem:s23+$0x18B00] =	vst v2;
	s23 =	smov.u32 s24;
	_ =	sdelay $0x2  }
0x91: {  	s24 =	sshra.s32 s25, $0x2;
	s25 =	sadd.s32 $0x40, s25;
	v2 =	vld.idx.msk [tilespmem:v3+s14+$0x0], $0xffff  }
0x92: {  	v3 =	vld [tilespmem:s24+$0x0];
	_ =	sdelay $0x6  }
0x93: {  	[tilespmem:s23+$0x18B00] =	vst v2  }
0x94: {  	v2 =	vld.idx.msk [tilespmem:v3+s14+$0x0], $0xffff;
	_ =	sdelay $0x4  }
0x95: {  	[tilespmem:s24+$0x18B00] =	vst v2  }
0x96: {  	[hbm4b:s8+s13] =	stream.strided.scatter [tilespmem:s20], [sflag:$0x3], $0x400, s14, s13, $0x38;
	[tilespmem:$0x1C880] =	vst v63  }
0x97: {  	_ =	swait.ge [sflag:s21], $0x400  }
0x98: {  	[sflag:s21] =	ssyncset.done $0x0  }
0x99: {  	[sflag:s21] =	ssyncadd.s32 $0xFFFFFC00  }
0x9a: {  	[tilespmem:s14], [sflag:$0x1] =	stream.strided.gather [hbm4b:s9+s13], $0x18700, s14, s13, $0x38;
	[tilespmem:$0x1C880] =	vst v63  }
0x9b: {  	_ =	swait.ge [sflag:s19], $0x18700  }
0x9c: {  	[sflag:s19] =	ssyncset.done $0x0  }
0x9d: {  	s23 =	simm.s32 $0x0;
	[sflag:s19] =	ssyncadd.s32 $0xFFFE7900  }
0x9e: {  	v2 =	vld [tilespmem:s23+$0x0];
	_ =	sdelay $0x7  }
0x9f: {  	s25 =	simm.s32 $0x80;
	s24 =	simm.s32 $0x10;
	v2 =	vld.idx.msk [tilespmem:v2+s14+$0x0], $0xffff  }
.LBB2_6:
0xa0: {  	p0 =	sne.s32 s25, $0xFC0;
	v3 =	vld [tilespmem:s24+$0x0];
	_ =	sdelay $0x3  }
.Ltmp2:
0xa1: {  	(pc) =	sbr.rel @p0 .LBB2_6-.Ltmp2, $2  }
0xa2: {  	[tilespmem:s23+$0x18B00] =	vst v2;
	s23 =	smov.u32 s24;
	_ =	sdelay $0x2  }
0xa3: {  	s24 =	sshra.s32 s25, $0x2;
	s25 =	sadd.s32 $0x40, s25;
	v2 =	vld.idx.msk [tilespmem:v3+s14+$0x0], $0xffff  }
0xa4: {  	v3 =	vld [tilespmem:s24+$0x0];
	_ =	sdelay $0x6  }
0xa5: {  	[tilespmem:s23+$0x18B00] =	vst v2  }
0xa6: {  	v2 =	vld.idx.msk [tilespmem:v3+s14+$0x0], $0xffff;
	_ =	sdelay $0x2  }
0xa7: {  	s22 =	sadd.s32 $0x1, s22  }
0xa8: {  	p0 =	sne.s32 s22, s11  }
.Ltmp3:
0xa9: {  	[tilespmem:s24+$0x18B00] =	vst v2;
	(pc) =	sbr.rel @p0 .LBB2_1-.Ltmp3, $4  }
0xaa: {  	[hbm4b:s10+s13] =	stream.strided.scatter [tilespmem:s20], [sflag:$0x3], $0x400, s14, s13, $0x38;
	[tilespmem:$0x1C880] =	vst v63  }
0xab: {  	_ =	swait.ge [sflag:s21], $0x400  }
0xac: {  	[sflag:s21] =	ssyncset.done $0x0  }
0xad: {  	[sflag:s21] =	ssyncadd.s32 $0xFFFFFC00  }
0xae: {  	_ =	sfence.sel $0x180000  }
0xaf: {  	[bflag:$0x0] =	sbarrier.arrive $0xFFFF  }
0xb0: {  	_ =	strace $0x90000047  }
0xb1: {  	s0 =	stileid.u32;
	[bflag:$0x2] =	sbarrier.arrive $0xFFFF  }
0xb2: {  	p0 =	sne.s32 s0, $0x0;
	s0 =	rddreg [dreg:$0x5]  }
0xb3: {  	s0 =	sadd.s32 @!p0 $0x100000, s0  }
0xb4: {  	[sflag:s0] =	ssyncadd.tile.s32 @!p0 $0x1;
	_ =	shalt  }
.Lfunc_end2:
_tile_overlayer_lowered:
.L_overlay_start_2:
0xb5: {  	(tag) =	ssettag $0x2  }
0xb6: {  	s0 =	rddreg [dreg:$0x0];
	s2 =	stileid.u32  }
0xb7: {  	s1 =	rddreg [dreg:$0x1];
	p0 =	sne.s32 s2, $0x0  }
0xb8: {  	s3 =	rddreg [dreg:$0x2];
	[bflag:$0x3] =	sbarrier.arrive $0xFFFF;
	s2 =	simm.s32 @!p0 $0x1C05  }
0xb9: {  	[timem:s3], [sflag:s2] =	dma.local @!p0 [hbm:s0], s1  }
0xba: {  	s0 =	simm.s32 @!p0 $0x5  }
0xbb: {  	_ =	swait.ge @!p0 [sflag:s0], s1  }
0xbc: {  	s1 =	ssub.s32 @!p0 $0x0, s1;
	[sflag:s0] =	ssyncset.done @!p0 $0x0  }
0xbd: {  	[sflag:s0] =	ssyncadd.s32 @!p0 s1  }
0xbe: {  	[bflag:$0x3] =	sbarrier.arrive $0xFFFF  }
0xbf: {  	_ =	shalt  }

</sc_bundles>
